<compile_context>
chip_gen: v7x
topology: tpu7x:2x2x1
jax: 0.10.2.dev20260603
libtpu: 0.0.44.dev20260713+nightly
codegen_flags: <defaults>
</compile_context>

<pallas_src>
import functools

import jax
import jax.numpy as jnp
from jax import lax
from jax.experimental import pallas as pl
from jax.experimental.pallas import tpu as pltpu
from jax.experimental.pallas import tpu_sc as plsc

_CS = 256
_N = 8
_E = 768
_T = _N * _CS
_EPS = 1e-6
_NEG = -1e30


def _scores_body(x_ref, scores_ref, xn_ref):
    x = x_ref[...]
    sq = jnp.sum(x * x, axis=1, keepdims=True)
    xn_ref[...] = x / (jnp.sqrt(sq) + _EPS)
    lane = lax.broadcasted_iota(jnp.int32, (1, 16), 1)
    rows = [jnp.full((1, 16), _NEG, jnp.float32)]
    for i in range(1, _N):
        cur = xn_ref[i * _CS:(i + 1) * _CS, :]
        prev = xn_ref[0:i * _CS, :]
        s = lax.dot_general(prev, cur, (((1,), (1,)), ((), ())),
                            preferred_element_type=jnp.float32)
        row = jnp.full((1, 16), _NEG, jnp.float32)
        for j in range(i):
            mj = jnp.max(s[j * _CS:(j + 1) * _CS, :], axis=0, keepdims=True)
            sij = jnp.sum(mj, axis=1, keepdims=True)
            row = jnp.where(lane == j, sij, row)
        rows.append(row)
    scores_ref[...] = jnp.concatenate(rows, axis=0)


def _topk_body(scores_hbm, wi_hbm, row_v, wi_v):
    wid = lax.axis_index("c") * 16 + lax.axis_index("s")

    @pl.when(wid < _N)
    def _():
        pltpu.sync_copy(scores_hbm.at[wid], row_v)
        row = row_v[...]
        iota = lax.broadcasted_iota(jnp.int32, (16,), 0)
        sv, si = plsc.sort_key_val(row, iota, descending=True)
        ns = jnp.minimum(wid, 3)
        pos = jnp.maximum(ns - 1, 0)
        vmin = jnp.sum(jnp.where(iota == pos, sv, jnp.zeros((16,), jnp.float32)),
                       axis=0)
        wi_v[pl.ds(0, 16)] = sv / (vmin + _EPS)
        wi_v[pl.ds(16, 16)] = si.astype(jnp.float32)
        pltpu.sync_copy(wi_v, wi_hbm.at[wid])


def _apply_body(wi_ref, x_ref, dp_ref, out_ref):
    i = pl.program_id(0)
    xi = x_ref[pl.ds(i * _CS, _CS), :]
    acc = xi + lax.dot_general(dp_ref[:, 3 * _CS:4 * _CS], xi,
                               (((1,), (0,)), ((), ())),
                               preferred_element_type=jnp.float32)
    ns = jnp.minimum(i, 3)
    for s in range(3):
        pos = s - 3 + ns
        valid = pos >= 0
        posc = jnp.maximum(pos, 0)
        w = jnp.where(valid, wi_ref[i, posc], 0.0)
        t = jnp.where(valid, wi_ref[i, 16 + posc].astype(jnp.int32), 0)
        blk = x_ref[pl.ds(t * _CS, _CS), :]
        acc = acc + w * lax.dot_general(dp_ref[:, s * _CS:(s + 1) * _CS], blk,
                                        (((1,), (0,)), ((), ())),
                                        preferred_element_type=jnp.float32)
    out_ref[...] = acc


_scores_call = pl.pallas_call(
    _scores_body,
    out_shape=jax.ShapeDtypeStruct((_N, 16), jnp.float32),
    scratch_shapes=[pltpu.VMEM((_T, _E), jnp.float32)],
)

@functools.cache
def _topk_call():
    return pl.kernel(
        _topk_body,
        out_type=jax.ShapeDtypeStruct((_N, 32), jnp.float32),
        mesh=plsc.VectorSubcoreMesh(core_axis_name="c", subcore_axis_name="s",
                                    num_cores=1),
        scratch_types=[pltpu.VMEM((16,), jnp.float32),
                       pltpu.VMEM((32,), jnp.float32)],
        compiler_params=pltpu.CompilerParams(needs_layout_passes=False),
    )

_apply_call = pl.pallas_call(
    _apply_body,
    grid=(_N,),
    in_specs=[
        pl.BlockSpec(memory_space=pltpu.SMEM),
        pl.BlockSpec((_T, _E), lambda i: (0, 0)),
        pl.BlockSpec((_CS, 4 * _CS), lambda i: (0, 0)),
    ],
    out_specs=pl.BlockSpec((_CS, _E), lambda i: (i, 0)),
    out_shape=jax.ShapeDtypeStruct((_T, _E), jnp.float32),
)


def kernel(x, down_proj):
    x2d = x.reshape(_T, _E)
    scores = _scores_call(x2d)
    wi = _topk_call()(scores)
    out2d = _apply_call(wi, x2d, down_proj)
    return out2d.reshape(_N, _CS, _E)

# --- scband reference (transcript-rebuilt; emitter-appended) ---
"""Pipeline reference for scband-ranker-25022479466555 (READ-ONLY COPY).

The authoritative reference and input builder live on the scoring server;
editing this copy changes nothing except your own understanding.
"""

import jax, jax.numpy as jnp
import numpy as np

CHUNK_SIZE = 256
K = 4  # config.k + 1
EXT_LEN = K * CHUNK_SIZE  # 1024
EPS = 1e-06


def setup_inputs(seed: int = 0) -> dict:
    key = jax.random.key(seed)
    k1, k2 = jax.random.split(key)
    x = jax.random.normal(k1, (1, 2048, 768), dtype=jnp.float32)
    # xavier_normal_ for down_proj of shape [chunk_size, extended_len]
    std = (2.0 / (CHUNK_SIZE + EXT_LEN)) ** 0.5
    down_proj = jax.random.normal(k2, (CHUNK_SIZE, EXT_LEN), dtype=jnp.float32) * std
    return {"x": x, "down_proj": down_proj}


def _extend(others, cur):
    B, cs, E = cur.shape
    i = others.shape[1]
    if i == 0:
        return cur
    num_sel = min(i, K - 1)
    if num_sel <= 0:
        return cur
    cn = others / (jnp.linalg.norm(others, axis=-1, keepdims=True) + EPS)
    cm = cur / (jnp.linalg.norm(cur, axis=-1, keepdims=True) + EPS)
    # sims: [B, i, cs, cs]
    sims = jnp.matmul(cm[:, None, :, :], jnp.swapaxes(cn, -1, -2))
    mx = jnp.max(sims, axis=-1)          # [B, i, cs]
    scores = jnp.sum(mx, axis=-1)        # [B, i]
    topk_vals, topk_idx = jax.lax.top_k(scores, num_sel)
    v_min = jnp.min(topk_vals, axis=-1, keepdims=True)
    w = topk_vals / (v_min + EPS)        # [B, num_sel]
    idx_e = jnp.broadcast_to(topk_idx[:, :, None, None], (B, num_sel, cs, E))
    sel = jnp.take_along_axis(others, idx_e, axis=1)  # gather selected chunks
    wt = (sel * w[:, :, None, None]).reshape(B, num_sel * cs, E)
    return jnp.concatenate([wt, cur], axis=1)


def reference(x, down_proj):
    B, T, E = x.shape
    cs, L = CHUNK_SIZE, EXT_LEN
    # T (2048) is divisible by cs (256), so no padding branch is taken
    N = T // cs
    x_chunks = x.reshape(B, N, cs, E)
    extended = []
    for i in range(N):
        cur = x_chunks[:, i]
        others = x_chunks[:, :i]
        cat = _extend(others, cur)
        cur_len = cat.shape[1]
        if cur_len < L:
            pad2 = jnp.zeros((B, L - cur_len, E), dtype=x.dtype)
            cat = jnp.concatenate([pad2, cat], axis=1)
        else:
            cat = cat[:, -L:]
        extended.append(cat)
    ext = jnp.stack(extended, axis=1)            # [B, N, L, E]
    ext = jnp.matmul(down_proj, ext) + x_chunks  # [cs,L] @ [B,N,L,E] -> [B,N,cs,E]
    h = ext.reshape(B * N, cs, E)
    return h

if __name__ == "__main__":
    import jax
    _d = setup_inputs()
    print(jax.jit(kernel)(*tuple(_d.values())))

</pallas_src>

<mosaic_0001>
#map = affine_map<(d0, d1) -> (0, 0)>
module attributes {stable_mosaic.version = 14 : i64} {
  func.func @_topk_body(%arg0: i32, %arg1: i32, %arg2: memref<8x16xf32, #tpu.memory_space<hbm>>, %arg3: memref<8x32xf32, #tpu.memory_space<hbm>>, %arg4: memref<16xf32, #tpu.memory_space<vmem>>, %arg5: memref<32xf32, #tpu.memory_space<vmem>>) attributes {dimension_semantics = [#tpu.dimension_semantics<core_parallel>, #tpu.dimension_semantics<subcore_parallel>], iteration_bounds = array<i64: 1, 16>, scalar_prefetch = 0 : i64, scratch_operands = 2 : i64, tpu.core_type = #tpu.core_type<sc_vector_subcore>, window_params = [{transform_indices = #map}, {transform_indices = #map}]} {
    %mul3A = arith.constant 16 : i32
    %mul3A_0 = arith.muli %arg0, %mul3A : i32
    %add3A = arith.addi %mul3A_0, %arg1 : i32
    %lt3A = arith.constant 8 : i32
    %lt3A_1 = arith.cmpi slt, %add3A, %lt3A : i32
    %convert_element_type3A = arith.extui %lt3A_1 : i1 to i32
    %cond3A = arith.constant 0 : i32
    %cond3A_2 = arith.cmpi ne, %convert_element_type3A, %cond3A : i32
    scf.if %cond3A_2 {
      "tpu.region"() ({
        %run_scoped3A = tpu.sem_alloc : memref<!tpu.dma_semaphore, #tpu.memory_space<semaphore_mem>>
        %dma_start3A = arith.constant 0 : i32
        %dma_start3A_22 = tpu.memref_slice %arg2[%add3A, %dma_start3A] : memref<8x16xf32, #tpu.memory_space<hbm>> -> memref<1x16xf32, #tpu.memory_space<hbm>>
        %dma_start3A_23 = tpu.memref_squeeze %dma_start3A_22 : memref<1x16xf32, #tpu.memory_space<hbm>> -> memref<16xf32, #tpu.memory_space<hbm>>
        %dma_start3A_24 = arith.constant 0 : i32
        %dma_start3A_25 = tpu.memref_slice %arg2[%add3A, %dma_start3A_24] : memref<8x16xf32, #tpu.memory_space<hbm>> -> memref<1x16xf32, #tpu.memory_space<hbm>>
        %dma_start3A_26 = tpu.memref_squeeze %dma_start3A_25 : memref<1x16xf32, #tpu.memory_space<hbm>> -> memref<16xf32, #tpu.memory_space<hbm>>
        tpu.enqueue_dma source(%dma_start3A_26 : memref<16xf32, #tpu.memory_space<hbm>>) target(%arg4 : memref<16xf32, #tpu.memory_space<vmem>>) target_semaphore(%run_scoped3A : memref<!tpu.dma_semaphore, #tpu.memory_space<semaphore_mem>>)
        %dma_wait3A = arith.constant 0 : i32
        %dma_wait3A_27 = tpu.memref_slice %arg2[%add3A, %dma_wait3A] : memref<8x16xf32, #tpu.memory_space<hbm>> -> memref<1x16xf32, #tpu.memory_space<hbm>>
        %dma_wait3A_28 = tpu.memref_squeeze %dma_wait3A_27 : memref<1x16xf32, #tpu.memory_space<hbm>> -> memref<16xf32, #tpu.memory_space<hbm>>
        %dma_wait3A_29 = arith.constant 0 : i32
        %dma_wait3A_30 = tpu.memref_slice %arg2[%add3A, %dma_wait3A_29] : memref<8x16xf32, #tpu.memory_space<hbm>> -> memref<1x16xf32, #tpu.memory_space<hbm>>
        %dma_wait3A_31 = tpu.memref_squeeze %dma_wait3A_30 : memref<1x16xf32, #tpu.memory_space<hbm>> -> memref<16xf32, #tpu.memory_space<hbm>>
        tpu.wait_dma2 semaphore(%run_scoped3A : memref<!tpu.dma_semaphore, #tpu.memory_space<semaphore_mem>>) src(%dma_wait3A_31 : memref<16xf32, #tpu.memory_space<hbm>>) dst(%arg4 : memref<16xf32, #tpu.memory_space<vmem>>)
        tpu.yield
      }) : () -> ()
      %get3A = arith.constant 0 : index
      %get3A_3 = tpu.vector_load %arg4[%get3A] {strides = array<i32>} : memref<16xf32, #tpu.memory_space<vmem>>, vector<16xf32>,
      %iota3A = tpu.iota {dimensions = array<i32: 0>} : vector<16xi32>
      %masked_sort3A = arith.constant dense<true> : vector<16xi1>
      %masked_sort3A_4, %masked_sort3A_5, %masked_sort3A_6 = tpu.sort %get3A_3, %iota3A masked %masked_sort3A {descending = true} : (vector<16xf32>, vector<16xi32>, vector<16xi1>) -> (vector<16xi1>, vector<16xf32>, vector<16xi32>)
      %min3A = arith.constant 3 : i32
      %min3A_7 = arith.minsi %add3A, %min3A : i32
      %sub3A = arith.constant 1 : i32
      %sub3A_8 = arith.subi %min3A_7, %sub3A : i32
      %max3A = arith.constant 0 : i32
      %max3A_9 = arith.maxsi %sub3A_8, %max3A : i32
      %eq3A = vector.broadcast %max3A_9 : i32 to vector<16xi32>
      %eq3A_10 = arith.cmpi eq, %iota3A, %eq3A : vector<16xi32>
      %broadcast_in_dim3A = arith.constant 0.000000e+00 : f32
      %broadcast_in_dim3A_11 = vector.broadcast %broadcast_in_dim3A : f32 to vector<16xf32>
      %select_n3A = arith.select %eq3A_10, %masked_sort3A_5, %broadcast_in_dim3A_11 : vector<16xi1>, vector<16xf32>
      %reduce_sum3A = arith.constant true
      %reduce_sum3A_12 = vector.broadcast %reduce_sum3A : i1 to vector<16xi1>
      %reduce_sum3A_13 = tpu.scan <sum>, %select_n3A masked %reduce_sum3A_12 : vector<16xf32>, vector<16xi1> -> vector<16xf32>
      %reduce_sum3A_14 = vector.extract %reduce_sum3A_13[15] : f32 from vector<16xf32>
      %add3A_15 = arith.constant 9.99999997E-7 : f32
      %add3A_16 = arith.addf %reduce_sum3A_14, %add3A_15 : f32
      %div3A = vector.broadcast %add3A_16 : f32 to vector<16xf32>
      %div3A_17 = arith.divf %masked_sort3A_5, %div3A : vector<16xf32>
      %swap3A = arith.constant 0 : index
      %swap3A_18 = tpu.vector_load %arg5[%swap3A] {strides = array<i32>} : memref<32xf32, #tpu.memory_space<vmem>>, vector<16xf32>,
      tpu.vector_store %arg5[%swap3A], %div3A_17 {strides = array<i32>} : memref<32xf32, #tpu.memory_space<vmem>>, vector<16xf32>,
      %convert_element_type3A_19 = arith.sitofp %masked_sort3A_6 : vector<16xi32> to vector<16xf32>
      %swap3A_20 = arith.constant 16 : index
      %swap3A_21 = tpu.vector_load %arg5[%swap3A_20] {strides = array<i32>} : memref<32xf32, #tpu.memory_space<vmem>>, vector<16xf32>,
      tpu.vector_store %arg5[%swap3A_20], %convert_element_type3A_19 {strides = array<i32>} : memref<32xf32, #tpu.memory_space<vmem>>, vector<16xf32>,
      "tpu.region"() ({
        %run_scoped3A = tpu.sem_alloc : memref<!tpu.dma_semaphore, #tpu.memory_space<semaphore_mem>>
        %dma_start3A = arith.constant 0 : i32
        %dma_start3A_22 = tpu.memref_slice %arg3[%add3A, %dma_start3A] : memref<8x32xf32, #tpu.memory_space<hbm>> -> memref<1x32xf32, #tpu.memory_space<hbm>>
        %dma_start3A_23 = tpu.memref_squeeze %dma_start3A_22 : memref<1x32xf32, #tpu.memory_space<hbm>> -> memref<32xf32, #tpu.memory_space<hbm>>
        %dma_start3A_24 = arith.constant 0 : i32
        %dma_start3A_25 = tpu.memref_slice %arg3[%add3A, %dma_start3A_24] : memref<8x32xf32, #tpu.memory_space<hbm>> -> memref<1x32xf32, #tpu.memory_space<hbm>>
        %dma_start3A_26 = tpu.memref_squeeze %dma_start3A_25 : memref<1x32xf32, #tpu.memory_space<hbm>> -> memref<32xf32, #tpu.memory_space<hbm>>
        tpu.enqueue_dma source(%arg5 : memref<32xf32, #tpu.memory_space<vmem>>) target(%dma_start3A_26 : memref<32xf32, #tpu.memory_space<hbm>>) target_semaphore(%run_scoped3A : memref<!tpu.dma_semaphore, #tpu.memory_space<semaphore_mem>>)
        %dma_wait3A = arith.constant 0 : i32
        %dma_wait3A_27 = tpu.memref_slice %arg3[%add3A, %dma_wait3A] : memref<8x32xf32, #tpu.memory_space<hbm>> -> memref<1x32xf32, #tpu.memory_space<hbm>>
        %dma_wait3A_28 = tpu.memref_squeeze %dma_wait3A_27 : memref<1x32xf32, #tpu.memory_space<hbm>> -> memref<32xf32, #tpu.memory_space<hbm>>
        %dma_wait3A_29 = arith.constant 0 : i32
        %dma_wait3A_30 = tpu.memref_slice %arg3[%add3A, %dma_wait3A_29] : memref<8x32xf32, #tpu.memory_space<hbm>> -> memref<1x32xf32, #tpu.memory_space<hbm>>
        %dma_wait3A_31 = tpu.memref_squeeze %dma_wait3A_30 : memref<1x32xf32, #tpu.memory_space<hbm>> -> memref<32xf32, #tpu.memory_space<hbm>>
        tpu.wait_dma2 semaphore(%run_scoped3A : memref<!tpu.dma_semaphore, #tpu.memory_space<semaphore_mem>>) src(%arg5 : memref<32xf32, #tpu.memory_space<vmem>>) dst(%dma_wait3A_31 : memref<32xf32, #tpu.memory_space<hbm>>)
        tpu.yield
      }) : () -> ()
    } else {
    }
    return
  }
}

module attributes {stable_mosaic.version = 14 : i64} {
  func.func @_apply_body(%arg0: i32, %arg1: memref<8x32xf32, #tpu.memory_space<smem>>, %arg2: memref<2048x768xf32, #tpu.memory_space<vmem>>, %arg3: memref<256x1024xf32, #tpu.memory_space<vmem>>, %arg4: memref<256x768xf32, #tpu.memory_space<vmem>>) attributes {dimension_semantics = [#tpu.dimension_semantics<arbitrary>], iteration_bounds = array<i64: 8>, scalar_prefetch = 0 : i64, scratch_operands = 0 : i64, tpu.core_type = #tpu.core_type<tc>, window_params = [{transform_indices = @transform_0, window_bounds = array<i64: 8, 32>}, {pipeline_mode = #tpu.pipeline_mode<synchronous>, transform_indices = @transform_1, window_bounds = array<i64: 2048, 768>}, {pipeline_mode = #tpu.pipeline_mode<synchronous>, transform_indices = @transform_2, window_bounds = array<i64: 256, 1024>}, {transform_indices = @transform_3, window_bounds = array<i64: 256, 768>}]} {
    %mul3A = arith.constant 256 : i32
    %mul3A_0 = arith.muli %arg0, %mul3A : i32
    %get3A = arith.index_cast %mul3A_0 : i32 to index
    %get3A_1 = arith.constant 0 : index
    %get3A_2 = vector.load %arg2[%get3A, %get3A_1] : memref<2048x768xf32, #tpu.memory_space<vmem>>, vector<256x768xf32>
    %get3A_3 = arith.constant 0 : index
    %get3A_4 = arith.constant 768 : index
    %get3A_5 = vector.load %arg3[%get3A_3, %get3A_4] : memref<256x1024xf32, #tpu.memory_space<vmem>>, vector<256x256xf32>
    %dot_general3A = arith.constant dense<0.000000e+00> : vector<256x768xf32>
    %dot_general3A_6 = tpu.matmul %get3A_5, %get3A_2, %dot_general3A {dimension_numbers = #tpu.dot_dimension_numbers<[1], [0], [0], [1], [0, 0, 1, 1], [], []>, transpose_lhs_hint = false} : vector<256x256xf32>, vector<256x768xf32>, vector<256x768xf32> -> vector<256x768xf32>
    %add3A = arith.addf %get3A_2, %dot_general3A_6 : vector<256x768xf32>
    %min3A = arith.constant 3 : i32
    %min3A_7 = arith.minsi %arg0, %min3A : i32
    %add3A_8 = arith.constant -3 : i32
    %add3A_9 = arith.addi %add3A_8, %min3A_7 : i32
    %ge3A = arith.constant 0 : i32
    %ge3A_10 = arith.cmpi sge, %add3A_9, %ge3A : i32
    %max3A = arith.constant 0 : i32
    %max3A_11 = arith.maxsi %add3A_9, %max3A : i32
    %get3A_12 = arith.index_cast %arg0 : i32 to index
    %get3A_13 = arith.index_cast %max3A_11 : i32 to index
    %get3A_14 = memref.load %arg1[%get3A_12, %get3A_13] : memref<8x32xf32, #tpu.memory_space<smem>>
    %jit3A = arith.constant 0.000000e+00 : f32
    %select_n3A = arith.select %ge3A_10, %get3A_14, %jit3A : f32
    %add3A_15 = arith.constant 16 : i32
    %add3A_16 = arith.addi %add3A_15, %max3A_11 : i32
    %get3A_17 = arith.index_cast %arg0 : i32 to index
    %get3A_18 = arith.index_cast %add3A_16 : i32 to index
    %get3A_19 = memref.load %arg1[%get3A_17, %get3A_18] : memref<8x32xf32, #tpu.memory_space<smem>>
    %convert_element_type3A = arith.fptosi %get3A_19 : f32 to i32
    %jit3A_20 = arith.constant 0 : i32
    %select_n3A_21 = arith.select %ge3A_10, %convert_element_type3A, %jit3A_20 : i32
    %mul3A_22 = arith.constant 256 : i32
    %mul3A_23 = arith.muli %select_n3A_21, %mul3A_22 : i32
    %get3A_24 = arith.index_cast %mul3A_23 : i32 to index
    %get3A_25 = arith.constant 0 : index
    %get3A_26 = vector.load %arg2[%get3A_24, %get3A_25] : memref<2048x768xf32, #tpu.memory_space<vmem>>, vector<256x768xf32>
    %get3A_27 = arith.constant 0 : index
    %get3A_28 = arith.constant 0 : index
    %get3A_29 = vector.load %arg3[%get3A_27, %get3A_28] : memref<256x1024xf32, #tpu.memory_space<vmem>>, vector<256x256xf32>
    %dot_general3A_30 = arith.constant dense<0.000000e+00> : vector<256x768xf32>
    %dot_general3A_31 = tpu.matmul %get3A_29, %get3A_26, %dot_general3A_30 {dimension_numbers = #tpu.dot_dimension_numbers<[1], [0], [0], [1], [0, 0, 1, 1], [], []>, transpose_lhs_hint = false} : vector<256x256xf32>, vector<256x768xf32>, vector<256x768xf32> -> vector<256x768xf32>
    %mul3A_32 = vector.broadcast %select_n3A : f32 to vector<256x768xf32>
    %mul3A_33 = arith.mulf %mul3A_32, %dot_general3A_31 : vector<256x768xf32>
    %add3A_34 = arith.addf %add3A, %mul3A_33 : vector<256x768xf32>
    %add3A_35 = arith.constant -2 : i32
    %add3A_36 = arith.addi %add3A_35, %min3A_7 : i32
    %ge3A_37 = arith.constant 0 : i32
    %ge3A_38 = arith.cmpi sge, %add3A_36, %ge3A_37 : i32
    %max3A_39 = arith.constant 0 : i32
    %max3A_40 = arith.maxsi %add3A_36, %max3A_39 : i32
    %get3A_41 = arith.index_cast %arg0 : i32 to index
    %get3A_42 = arith.index_cast %max3A_40 : i32 to index
    %get3A_43 = memref.load %arg1[%get3A_41, %get3A_42] : memref<8x32xf32, #tpu.memory_space<smem>>
    %jit3A_44 = arith.constant 0.000000e+00 : f32
    %select_n3A_45 = arith.select %ge3A_38, %get3A_43, %jit3A_44 : f32
    %add3A_46 = arith.constant 16 : i32
    %add3A_47 = arith.addi %add3A_46, %max3A_40 : i32
    %get3A_48 = arith.index_cast %arg0 : i32 to index
    %get3A_49 = arith.index_cast %add3A_47 : i32 to index
    %get3A_50 = memref.load %arg1[%get3A_48, %get3A_49] : memref<8x32xf32, #tpu.memory_space<smem>>
    %convert_element_type3A_51 = arith.fptosi %get3A_50 : f32 to i32
    %jit3A_52 = arith.constant 0 : i32
    %select_n3A_53 = arith.select %ge3A_38, %convert_element_type3A_51, %jit3A_52 : i32
    %mul3A_54 = arith.constant 256 : i32
    %mul3A_55 = arith.muli %select_n3A_53, %mul3A_54 : i32
    %get3A_56 = arith.index_cast %mul3A_55 : i32 to index
    %get3A_57 = arith.constant 0 : index
    %get3A_58 = vector.load %arg2[%get3A_56, %get3A_57] : memref<2048x768xf32, #tpu.memory_space<vmem>>, vector<256x768xf32>
    %get3A_59 = arith.constant 0 : index
    %get3A_60 = arith.constant 256 : index
    %get3A_61 = vector.load %arg3[%get3A_59, %get3A_60] : memref<256x1024xf32, #tpu.memory_space<vmem>>, vector<256x256xf32>
    %dot_general3A_62 = arith.constant dense<0.000000e+00> : vector<256x768xf32>
    %dot_general3A_63 = tpu.matmul %get3A_61, %get3A_58, %dot_general3A_62 {dimension_numbers = #tpu.dot_dimension_numbers<[1], [0], [0], [1], [0, 0, 1, 1], [], []>, transpose_lhs_hint = false} : vector<256x256xf32>, vector<256x768xf32>, vector<256x768xf32> -> vector<256x768xf32>
    %mul3A_64 = vector.broadcast %select_n3A_45 : f32 to vector<256x768xf32>
    %mul3A_65 = arith.mulf %mul3A_64, %dot_general3A_63 : vector<256x768xf32>
    %add3A_66 = arith.addf %add3A_34, %mul3A_65 : vector<256x768xf32>
    %add3A_67 = arith.constant -1 : i32
    %add3A_68 = arith.addi %add3A_67, %min3A_7 : i32
    %ge3A_69 = arith.constant 0 : i32
    %ge3A_70 = arith.cmpi sge, %add3A_68, %ge3A_69 : i32
    %max3A_71 = arith.constant 0 : i32
    %max3A_72 = arith.maxsi %add3A_68, %max3A_71 : i32
    %get3A_73 = arith.index_cast %arg0 : i32 to index
    %get3A_74 = arith.index_cast %max3A_72 : i32 to index
    %get3A_75 = memref.load %arg1[%get3A_73, %get3A_74] : memref<8x32xf32, #tpu.memory_space<smem>>
    %jit3A_76 = arith.constant 0.000000e+00 : f32
    %select_n3A_77 = arith.select %ge3A_70, %get3A_75, %jit3A_76 : f32
    %add3A_78 = arith.constant 16 : i32
    %add3A_79 = arith.addi %add3A_78, %max3A_72 : i32
    %get3A_80 = arith.index_cast %arg0 : i32 to index
    %get3A_81 = arith.index_cast %add3A_79 : i32 to index
    %get3A_82 = memref.load %arg1[%get3A_80, %get3A_81] : memref<8x32xf32, #tpu.memory_space<smem>>
    %convert_element_type3A_83 = arith.fptosi %get3A_82 : f32 to i32
    %jit3A_84 = arith.constant 0 : i32
    %select_n3A_85 = arith.select %ge3A_70, %convert_element_type3A_83, %jit3A_84 : i32
    %mul3A_86 = arith.constant 256 : i32
    %mul3A_87 = arith.muli %select_n3A_85, %mul3A_86 : i32
    %get3A_88 = arith.index_cast %mul3A_87 : i32 to index
    %get3A_89 = arith.constant 0 : index
    %get3A_90 = vector.load %arg2[%get3A_88, %get3A_89] : memref<2048x768xf32, #tpu.memory_space<vmem>>, vector<256x768xf32>
    %get3A_91 = arith.constant 0 : index
    %get3A_92 = arith.constant 512 : index
    %get3A_93 = vector.load %arg3[%get3A_91, %get3A_92] : memref<256x1024xf32, #tpu.memory_space<vmem>>, vector<256x256xf32>
    %dot_general3A_94 = arith.constant dense<0.000000e+00> : vector<256x768xf32>
    %dot_general3A_95 = tpu.matmul %get3A_93, %get3A_90, %dot_general3A_94 {dimension_numbers = #tpu.dot_dimension_numbers<[1], [0], [0], [1], [0, 0, 1, 1], [], []>, transpose_lhs_hint = false} : vector<256x256xf32>, vector<256x768xf32>, vector<256x768xf32> -> vector<256x768xf32>
    %mul3A_96 = vector.broadcast %select_n3A_77 : f32 to vector<256x768xf32>
    %mul3A_97 = arith.mulf %mul3A_96, %dot_general3A_95 : vector<256x768xf32>
    %add3A_98 = arith.addf %add3A_66, %mul3A_97 : vector<256x768xf32>
    %swap3A = arith.constant 0 : index
    %swap3A_99 = arith.constant 0 : index
    %swap3A_100 = vector.load %arg4[%swap3A, %swap3A_99] : memref<256x768xf32, #tpu.memory_space<vmem>>, vector<256x768xf32>
    tpu.vector_store %arg4[%swap3A, %swap3A_99], %add3A_98 {strides = array<i32>} : memref<256x768xf32, #tpu.memory_space<vmem>>, vector<256x768xf32>,
    return
  }
  func.func @transform_0(%arg0: i32) -> (i32, i32) {
    %c0_i32 = arith.constant 0 : i32
    %c0_i32_0 = arith.constant 0 : i32
    %c0_i32_1 = arith.constant 0 : i32
    return %c0_i32, %c0_i32_0 : i32, i32
  }
  func.func @transform_1(%arg0: i32) -> (i32, i32) {
    %c0_i32 = arith.constant 0 : i32
    %c0_i32_0 = arith.constant 0 : i32
    %c0_i32_1 = arith.constant 0 : i32
    return %c0_i32, %c0_i32_0 : i32, i32
  }
  func.func @transform_2(%arg0: i32) -> (i32, i32) {
    %c0_i32 = arith.constant 0 : i32
    %c0_i32_0 = arith.constant 0 : i32
    %c0_i32_1 = arith.constant 0 : i32
    return %c0_i32, %c0_i32_0 : i32, i32
  }
  func.func @transform_3(%arg0: i32) -> (i32, i32) {
    %c0_i32 = arith.constant 0 : i32
    %c0_i32_0 = arith.constant 0 : i32
    return %arg0, %c0_i32 : i32, i32
  }
}

module attributes {stable_mosaic.version = 14 : i64} {
  func.func @_scores_body(%arg0: memref<2048x768xf32, #tpu.memory_space<vmem>>, %arg1: memref<8x16xf32, #tpu.memory_space<vmem>>, %arg2: memref<2048x768xf32, #tpu.memory_space<vmem>>) attributes {dimension_semantics = [], scalar_prefetch = 0 : i64, scratch_operands = 1 : i64, tpu.core_type = #tpu.core_type<tc>} {
    %get3A = arith.constant 0 : index
    %get3A_0 = arith.constant 0 : index
    %get3A_1 = vector.load %arg0[%get3A, %get3A_0] : memref<2048x768xf32, #tpu.memory_space<vmem>>, vector<2048x768xf32>
    %mul3A = arith.mulf %get3A_1, %get3A_1 : vector<2048x768xf32>
    %reduce_sum3A = arith.constant dense<0.000000e+00> : vector<2048xf32>
    %reduce_sum3A_2 = vector.multi_reduction <add>, %mul3A, %reduce_sum3A [1] : vector<2048x768xf32> to vector<2048xf32>
    %broadcast_in_dim3A = vector.shape_cast %reduce_sum3A_2 : vector<2048xf32> to vector<2048x1xf32>
    %sqrt3A = math.sqrt %broadcast_in_dim3A : vector<2048x1xf32>
    %add3A = arith.constant 9.99999997E-7 : f32
    %add3A_3 = vector.broadcast %add3A : f32 to vector<2048x1xf32>
    %add3A_4 = arith.addf %sqrt3A, %add3A_3 : vector<2048x1xf32>
    %div3A = vector.broadcast %add3A_4 : vector<2048x1xf32> to vector<2048x768xf32>
    %div3A_5 = arith.divf %get3A_1, %div3A : vector<2048x768xf32>
    %swap3A = arith.constant 0 : index
    %swap3A_6 = arith.constant 0 : index
    %swap3A_7 = vector.load %arg2[%swap3A, %swap3A_6] : memref<2048x768xf32, #tpu.memory_space<vmem>>, vector<2048x768xf32>
    tpu.vector_store %arg2[%swap3A, %swap3A_6], %div3A_5 {strides = array<i32>} : memref<2048x768xf32, #tpu.memory_space<vmem>>, vector<2048x768xf32>,
    %iota3A = tpu.iota {dimensions = array<i32: 1>} : vector<1x16xi32>
    %broadcast_in_dim3A_8 = arith.constant -1.000000e+30 : f32
    %broadcast_in_dim3A_9 = vector.broadcast %broadcast_in_dim3A_8 : f32 to vector<1x16xf32>
    %get3A_10 = arith.constant 256 : index
    %get3A_11 = arith.constant 0 : index
    %get3A_12 = vector.load %arg2[%get3A_10, %get3A_11] : memref<2048x768xf32, #tpu.memory_space<vmem>>, vector<256x768xf32>
    %get3A_13 = arith.constant 0 : index
    %get3A_14 = arith.constant 0 : index
    %get3A_15 = vector.load %arg2[%get3A_13, %get3A_14] : memref<2048x768xf32, #tpu.memory_space<vmem>>, vector<256x768xf32>
    %dot_general3A = arith.constant dense<0.000000e+00> : vector<256x256xf32>
    %dot_general3A_16 = tpu.matmul %get3A_15, %get3A_12, %dot_general3A {dimension_numbers = #tpu.dot_dimension_numbers<[1], [1], [0], [0], [0, 0, 1, 0], [], []>, transpose_lhs_hint = false} : vector<256x768xf32>, vector<256x768xf32>, vector<256x256xf32> -> vector<256x256xf32>
    %broadcast_in_dim3A_17 = arith.constant -1.000000e+30 : f32
    %broadcast_in_dim3A_18 = vector.broadcast %broadcast_in_dim3A_17 : f32 to vector<1x16xf32>
    %reduce_max3A = arith.constant dense<0xFF800000> : vector<256xf32>
    %reduce_max3A_19 = vector.multi_reduction <maximumf>, %dot_general3A_16, %reduce_max3A [0] : vector<256x256xf32> to vector<256xf32>
    %broadcast_in_dim3A_20 = vector.shape_cast %reduce_max3A_19 : vector<256xf32> to vector<1x256xf32>
    %reduce_sum3A_21 = arith.constant dense<0.000000e+00> : vector<1xf32>
    %reduce_sum3A_22 = vector.multi_reduction <add>, %broadcast_in_dim3A_20, %reduce_sum3A_21 [1] : vector<1x256xf32> to vector<1xf32>
    %broadcast_in_dim3A_23 = vector.shape_cast %reduce_sum3A_22 : vector<1xf32> to vector<1x1xf32>
    %eq3A = arith.constant 0 : i32
    %eq3A_24 = vector.broadcast %eq3A : i32 to vector<1x16xi32>
    %eq3A_25 = arith.cmpi eq, %iota3A, %eq3A_24 : vector<1x16xi32>
    %broadcast_in_dim3A_26 = vector.shape_cast %broadcast_in_dim3A_23 : vector<1x1xf32> to vector<1x1xf32>
    %broadcast_in_dim3A_27 = vector.broadcast %broadcast_in_dim3A_26 : vector<1x1xf32> to vector<1x16xf32>
    %select_n3A = arith.select %eq3A_25, %broadcast_in_dim3A_27, %broadcast_in_dim3A_18 : vector<1x16xi1>, vector<1x16xf32>
    %get3A_28 = arith.constant 512 : index
    %get3A_29 = arith.constant 0 : index
    %get3A_30 = vector.load %arg2[%get3A_28, %get3A_29] : memref<2048x768xf32, #tpu.memory_space<vmem>>, vector<256x768xf32>
    %get3A_31 = arith.constant 0 : index
    %get3A_32 = arith.constant 0 : index
    %get3A_33 = vector.load %arg2[%get3A_31, %get3A_32] : memref<2048x768xf32, #tpu.memory_space<vmem>>, vector<512x768xf32>
    %dot_general3A_34 = arith.constant dense<0.000000e+00> : vector<512x256xf32>
    %dot_general3A_35 = tpu.matmul %get3A_33, %get3A_30, %dot_general3A_34 {dimension_numbers = #tpu.dot_dimension_numbers<[1], [1], [0], [0], [0, 0, 1, 0], [], []>, transpose_lhs_hint = false} : vector<512x768xf32>, vector<256x768xf32>, vector<512x256xf32> -> vector<512x256xf32>
    %broadcast_in_dim3A_36 = arith.constant -1.000000e+30 : f32
    %broadcast_in_dim3A_37 = vector.broadcast %broadcast_in_dim3A_36 : f32 to vector<1x16xf32>
    %slice3A = vector.extract_strided_slice %dot_general3A_35 {offsets = [0, 0], sizes = [256, 256], strides = [1, 1]} : vector<512x256xf32> to vector<256x256xf32>
    %reduce_max3A_38 = arith.constant dense<0xFF800000> : vector<256xf32>
    %reduce_max3A_39 = vector.multi_reduction <maximumf>, %slice3A, %reduce_max3A_38 [0] : vector<256x256xf32> to vector<256xf32>
    %broadcast_in_dim3A_40 = vector.shape_cast %reduce_max3A_39 : vector<256xf32> to vector<1x256xf32>
    %reduce_sum3A_41 = arith.constant dense<0.000000e+00> : vector<1xf32>
    %reduce_sum3A_42 = vector.multi_reduction <add>, %broadcast_in_dim3A_40, %reduce_sum3A_41 [1] : vector<1x256xf32> to vector<1xf32>
    %broadcast_in_dim3A_43 = vector.shape_cast %reduce_sum3A_42 : vector<1xf32> to vector<1x1xf32>
    %eq3A_44 = arith.constant 0 : i32
    %eq3A_45 = vector.broadcast %eq3A_44 : i32 to vector<1x16xi32>
    %eq3A_46 = arith.cmpi eq, %iota3A, %eq3A_45 : vector<1x16xi32>
    %broadcast_in_dim3A_47 = vector.shape_cast %broadcast_in_dim3A_43 : vector<1x1xf32> to vector<1x1xf32>
    %broadcast_in_dim3A_48 = vector.broadcast %broadcast_in_dim3A_47 : vector<1x1xf32> to vector<1x16xf32>
    %select_n3A_49 = arith.select %eq3A_46, %broadcast_in_dim3A_48, %broadcast_in_dim3A_37 : vector<1x16xi1>, vector<1x16xf32>
    %slice3A_50 = vector.extract_strided_slice %dot_general3A_35 {offsets = [256, 0], sizes = [256, 256], strides = [1, 1]} : vector<512x256xf32> to vector<256x256xf32>
    %reduce_max3A_51 = arith.constant dense<0xFF800000> : vector<256xf32>
    %reduce_max3A_52 = vector.multi_reduction <maximumf>, %slice3A_50, %reduce_max3A_51 [0] : vector<256x256xf32> to vector<256xf32>
    %broadcast_in_dim3A_53 = vector.shape_cast %reduce_max3A_52 : vector<256xf32> to vector<1x256xf32>
    %reduce_sum3A_54 = arith.constant dense<0.000000e+00> : vector<1xf32>
    %reduce_sum3A_55 = vector.multi_reduction <add>, %broadcast_in_dim3A_53, %reduce_sum3A_54 [1] : vector<1x256xf32> to vector<1xf32>
    %broadcast_in_dim3A_56 = vector.shape_cast %reduce_sum3A_55 : vector<1xf32> to vector<1x1xf32>
    %eq3A_57 = arith.constant 1 : i32
    %eq3A_58 = vector.broadcast %eq3A_57 : i32 to vector<1x16xi32>
    %eq3A_59 = arith.cmpi eq, %iota3A, %eq3A_58 : vector<1x16xi32>
    %broadcast_in_dim3A_60 = vector.shape_cast %broadcast_in_dim3A_56 : vector<1x1xf32> to vector<1x1xf32>
    %broadcast_in_dim3A_61 = vector.broadcast %broadcast_in_dim3A_60 : vector<1x1xf32> to vector<1x16xf32>
    %select_n3A_62 = arith.select %eq3A_59, %broadcast_in_dim3A_61, %select_n3A_49 : vector<1x16xi1>, vector<1x16xf32>
    %get3A_63 = arith.constant 768 : index
    %get3A_64 = arith.constant 0 : index
    %get3A_65 = vector.load %arg2[%get3A_63, %get3A_64] : memref<2048x768xf32, #tpu.memory_space<vmem>>, vector<256x768xf32>
    %get3A_66 = arith.constant 0 : index
    %get3A_67 = arith.constant 0 : index
    %get3A_68 = vector.load %arg2[%get3A_66, %get3A_67] : memref<2048x768xf32, #tpu.memory_space<vmem>>, vector<768x768xf32>
    %dot_general3A_69 = arith.constant dense<0.000000e+00> : vector<768x256xf32>
    %dot_general3A_70 = tpu.matmul %get3A_68, %get3A_65, %dot_general3A_69 {dimension_numbers = #tpu.dot_dimension_numbers<[1], [1], [0], [0], [0, 0, 1, 0], [], []>, transpose_lhs_hint = false} : vector<768x768xf32>, vector<256x768xf32>, vector<768x256xf32> -> vector<768x256xf32>
    %broadcast_in_dim3A_71 = arith.constant -1.000000e+30 : f32
    %broadcast_in_dim3A_72 = vector.broadcast %broadcast_in_dim3A_71 : f32 to vector<1x16xf32>
    %slice3A_73 = vector.extract_strided_slice %dot_general3A_70 {offsets = [0, 0], sizes = [256, 256], strides = [1, 1]} : vector<768x256xf32> to vector<256x256xf32>
    %reduce_max3A_74 = arith.constant dense<0xFF800000> : vector<256xf32>
    %reduce_max3A_75 = vector.multi_reduction <maximumf>, %slice3A_73, %reduce_max3A_74 [0] : vector<256x256xf32> to vector<256xf32>
    %broadcast_in_dim3A_76 = vector.shape_cast %reduce_max3A_75 : vector<256xf32> to vector<1x256xf32>
    %reduce_sum3A_77 = arith.constant dense<0.000000e+00> : vector<1xf32>
    %reduce_sum3A_78 = vector.multi_reduction <add>, %broadcast_in_dim3A_76, %reduce_sum3A_77 [1] : vector<1x256xf32> to vector<1xf32>
    %broadcast_in_dim3A_79 = vector.shape_cast %reduce_sum3A_78 : vector<1xf32> to vector<1x1xf32>
    %eq3A_80 = arith.constant 0 : i32
    %eq3A_81 = vector.broadcast %eq3A_80 : i32 to vector<1x16xi32>
    %eq3A_82 = arith.cmpi eq, %iota3A, %eq3A_81 : vector<1x16xi32>
    %broadcast_in_dim3A_83 = vector.shape_cast %broadcast_in_dim3A_79 : vector<1x1xf32> to vector<1x1xf32>
    %broadcast_in_dim3A_84 = vector.broadcast %broadcast_in_dim3A_83 : vector<1x1xf32> to vector<1x16xf32>
    %select_n3A_85 = arith.select %eq3A_82, %broadcast_in_dim3A_84, %broadcast_in_dim3A_72 : vector<1x16xi1>, vector<1x16xf32>
    %slice3A_86 = vector.extract_strided_slice %dot_general3A_70 {offsets = [256, 0], sizes = [256, 256], strides = [1, 1]} : vector<768x256xf32> to vector<256x256xf32>
    %reduce_max3A_87 = arith.constant dense<0xFF800000> : vector<256xf32>
    %reduce_max3A_88 = vector.multi_reduction <maximumf>, %slice3A_86, %reduce_max3A_87 [0] : vector<256x256xf32> to vector<256xf32>
    %broadcast_in_dim3A_89 = vector.shape_cast %reduce_max3A_88 : vector<256xf32> to vector<1x256xf32>
    %reduce_sum3A_90 = arith.constant dense<0.000000e+00> : vector<1xf32>
    %reduce_sum3A_91 = vector.multi_reduction <add>, %broadcast_in_dim3A_89, %reduce_sum3A_90 [1] : vector<1x256xf32> to vector<1xf32>
    %broadcast_in_dim3A_92 = vector.shape_cast %reduce_sum3A_91 : vector<1xf32> to vector<1x1xf32>
    %eq3A_93 = arith.constant 1 : i32
    %eq3A_94 = vector.broadcast %eq3A_93 : i32 to vector<1x16xi32>
    %eq3A_95 = arith.cmpi eq, %iota3A, %eq3A_94 : vector<1x16xi32>
    %broadcast_in_dim3A_96 = vector.shape_cast %broadcast_in_dim3A_92 : vector<1x1xf32> to vector<1x1xf32>
    %broadcast_in_dim3A_97 = vector.broadcast %broadcast_in_dim3A_96 : vector<1x1xf32> to vector<1x16xf32>
    %select_n3A_98 = arith.select %eq3A_95, %broadcast_in_dim3A_97, %select_n3A_85 : vector<1x16xi1>, vector<1x16xf32>
    %slice3A_99 = vector.extract_strided_slice %dot_general3A_70 {offsets = [512, 0], sizes = [256, 256], strides = [1, 1]} : vector<768x256xf32> to vector<256x256xf32>
    %reduce_max3A_100 = arith.constant dense<0xFF800000> : vector<256xf32>
    %reduce_max3A_101 = vector.multi_reduction <maximumf>, %slice3A_99, %reduce_max3A_100 [0] : vector<256x256xf32> to vector<256xf32>
    %broadcast_in_dim3A_102 = vector.shape_cast %reduce_max3A_101 : vector<256xf32> to vector<1x256xf32>
    %reduce_sum3A_103 = arith.constant dense<0.000000e+00> : vector<1xf32>
    %reduce_sum3A_104 = vector.multi_reduction <add>, %broadcast_in_dim3A_102, %reduce_sum3A_103 [1] : vector<1x256xf32> to vector<1xf32>
    %broadcast_in_dim3A_105 = vector.shape_cast %reduce_sum3A_104 : vector<1xf32> to vector<1x1xf32>
    %eq3A_106 = arith.constant 2 : i32
    %eq3A_107 = vector.broadcast %eq3A_106 : i32 to vector<1x16xi32>
    %eq3A_108 = arith.cmpi eq, %iota3A, %eq3A_107 : vector<1x16xi32>
    %broadcast_in_dim3A_109 = vector.shape_cast %broadcast_in_dim3A_105 : vector<1x1xf32> to vector<1x1xf32>
    %broadcast_in_dim3A_110 = vector.broadcast %broadcast_in_dim3A_109 : vector<1x1xf32> to vector<1x16xf32>
    %select_n3A_111 = arith.select %eq3A_108, %broadcast_in_dim3A_110, %select_n3A_98 : vector<1x16xi1>, vector<1x16xf32>
    %get3A_112 = arith.constant 1024 : index
    %get3A_113 = arith.constant 0 : index
    %get3A_114 = vector.load %arg2[%get3A_112, %get3A_113] : memref<2048x768xf32, #tpu.memory_space<vmem>>, vector<256x768xf32>
    %get3A_115 = arith.constant 0 : index
    %get3A_116 = arith.constant 0 : index
    %get3A_117 = vector.load %arg2[%get3A_115, %get3A_116] : memref<2048x768xf32, #tpu.memory_space<vmem>>, vector<1024x768xf32>
    %dot_general3A_118 = arith.constant dense<0.000000e+00> : vector<1024x256xf32>
    %dot_general3A_119 = tpu.matmul %get3A_117, %get3A_114, %dot_general3A_118 {dimension_numbers = #tpu.dot_dimension_numbers<[1], [1], [0], [0], [0, 0, 1, 0], [], []>, transpose_lhs_hint = false} : vector<1024x768xf32>, vector<256x768xf32>, vector<1024x256xf32> -> vector<1024x256xf32>
    %broadcast_in_dim3A_120 = arith.constant -1.000000e+30 : f32
    %broadcast_in_dim3A_121 = vector.broadcast %broadcast_in_dim3A_120 : f32 to vector<1x16xf32>
    %slice3A_122 = vector.extract_strided_slice %dot_general3A_119 {offsets = [0, 0], sizes = [256, 256], strides = [1, 1]} : vector<1024x256xf32> to vector<256x256xf32>
    %reduce_max3A_123 = arith.constant dense<0xFF800000> : vector<256xf32>
    %reduce_max3A_124 = vector.multi_reduction <maximumf>, %slice3A_122, %reduce_max3A_123 [0] : vector<256x256xf32> to vector<256xf32>
    %broadcast_in_dim3A_125 = vector.shape_cast %reduce_max3A_124 : vector<256xf32> to vector<1x256xf32>
    %reduce_sum3A_126 = arith.constant dense<0.000000e+00> : vector<1xf32>
    %reduce_sum3A_127 = vector.multi_reduction <add>, %broadcast_in_dim3A_125, %reduce_sum3A_126 [1] : vector<1x256xf32> to vector<1xf32>
    %broadcast_in_dim3A_128 = vector.shape_cast %reduce_sum3A_127 : vector<1xf32> to vector<1x1xf32>
    %eq3A_129 = arith.constant 0 : i32
    %eq3A_130 = vector.broadcast %eq3A_129 : i32 to vector<1x16xi32>
    %eq3A_131 = arith.cmpi eq, %iota3A, %eq3A_130 : vector<1x16xi32>
    %broadcast_in_dim3A_132 = vector.shape_cast %broadcast_in_dim3A_128 : vector<1x1xf32> to vector<1x1xf32>
    %broadcast_in_dim3A_133 = vector.broadcast %broadcast_in_dim3A_132 : vector<1x1xf32> to vector<1x16xf32>
    %select_n3A_134 = arith.select %eq3A_131, %broadcast_in_dim3A_133, %broadcast_in_dim3A_121 : vector<1x16xi1>, vector<1x16xf32>
    %slice3A_135 = vector.extract_strided_slice %dot_general3A_119 {offsets = [256, 0], sizes = [256, 256], strides = [1, 1]} : vector<1024x256xf32> to vector<256x256xf32>
    %reduce_max3A_136 = arith.constant dense<0xFF800000> : vector<256xf32>
    %reduce_max3A_137 = vector.multi_reduction <maximumf>, %slice3A_135, %reduce_max3A_136 [0] : vector<256x256xf32> to vector<256xf32>
    %broadcast_in_dim3A_138 = vector.shape_cast %reduce_max3A_137 : vector<256xf32> to vector<1x256xf32>
    %reduce_sum3A_139 = arith.constant dense<0.000000e+00> : vector<1xf32>
    %reduce_sum3A_140 = vector.multi_reduction <add>, %broadcast_in_dim3A_138, %reduce_sum3A_139 [1] : vector<1x256xf32> to vector<1xf32>
    %broadcast_in_dim3A_141 = vector.shape_cast %reduce_sum3A_140 : vector<1xf32> to vector<1x1xf32>
    %eq3A_142 = arith.constant 1 : i32
    %eq3A_143 = vector.broadcast %eq3A_142 : i32 to vector<1x16xi32>
    %eq3A_144 = arith.cmpi eq, %iota3A, %eq3A_143 : vector<1x16xi32>
    %broadcast_in_dim3A_145 = vector.shape_cast %broadcast_in_dim3A_141 : vector<1x1xf32> to vector<1x1xf32>
    %broadcast_in_dim3A_146 = vector.broadcast %broadcast_in_dim3A_145 : vector<1x1xf32> to vector<1x16xf32>
    %select_n3A_147 = arith.select %eq3A_144, %broadcast_in_dim3A_146, %select_n3A_134 : vector<1x16xi1>, vector<1x16xf32>
    %slice3A_148 = vector.extract_strided_slice %dot_general3A_119 {offsets = [512, 0], sizes = [256, 256], strides = [1, 1]} : vector<1024x256xf32> to vector<256x256xf32>
    %reduce_max3A_149 = arith.constant dense<0xFF800000> : vector<256xf32>
    %reduce_max3A_150 = vector.multi_reduction <maximumf>, %slice3A_148, %reduce_max3A_149 [0] : vector<256x256xf32> to vector<256xf32>
    %broadcast_in_dim3A_151 = vector.shape_cast %reduce_max3A_150 : vector<256xf32> to vector<1x256xf32>
    %reduce_sum3A_152 = arith.constant dense<0.000000e+00> : vector<1xf32>
    %reduce_sum3A_153 = vector.multi_reduction <add>, %broadcast_in_dim3A_151, %reduce_sum3A_152 [1] : vector<1x256xf32> to vector<1xf32>
    %broadcast_in_dim3A_154 = vector.shape_cast %reduce_sum3A_153 : vector<1xf32> to vector<1x1xf32>
    %eq3A_155 = arith.constant 2 : i32
    %eq3A_156 = vector.broadcast %eq3A_155 : i32 to vector<1x16xi32>
    %eq3A_157 = arith.cmpi eq, %iota3A, %eq3A_156 : vector<1x16xi32>
    %broadcast_in_dim3A_158 = vector.shape_cast %broadcast_in_dim3A_154 : vector<1x1xf32> to vector<1x1xf32>
    %broadcast_in_dim3A_159 = vector.broadcast %broadcast_in_dim3A_158 : vector<1x1xf32> to vector<1x16xf32>
    %select_n3A_160 = arith.select %eq3A_157, %broadcast_in_dim3A_159, %select_n3A_147 : vector<1x16xi1>, vector<1x16xf32>
    %slice3A_161 = vector.extract_strided_slice %dot_general3A_119 {offsets = [768, 0], sizes = [256, 256], strides = [1, 1]} : vector<1024x256xf32> to vector<256x256xf32>
    %reduce_max3A_162 = arith.constant dense<0xFF800000> : vector<256xf32>
    %reduce_max3A_163 = vector.multi_reduction <maximumf>, %slice3A_161, %reduce_max3A_162 [0] : vector<256x256xf32> to vector<256xf32>
    %broadcast_in_dim3A_164 = vector.shape_cast %reduce_max3A_163 : vector<256xf32> to vector<1x256xf32>
    %reduce_sum3A_165 = arith.constant dense<0.000000e+00> : vector<1xf32>
    %reduce_sum3A_166 = vector.multi_reduction <add>, %broadcast_in_dim3A_164, %reduce_sum3A_165 [1] : vector<1x256xf32> to vector<1xf32>
    %broadcast_in_dim3A_167 = vector.shape_cast %reduce_sum3A_166 : vector<1xf32> to vector<1x1xf32>
    %eq3A_168 = arith.constant 3 : i32
    %eq3A_169 = vector.broadcast %eq3A_168 : i32 to vector<1x16xi32>
    %eq3A_170 = arith.cmpi eq, %iota3A, %eq3A_169 : vector<1x16xi32>
    %broadcast_in_dim3A_171 = vector.shape_cast %broadcast_in_dim3A_167 : vector<1x1xf32> to vector<1x1xf32>
    %broadcast_in_dim3A_172 = vector.broadcast %broadcast_in_dim3A_171 : vector<1x1xf32> to vector<1x16xf32>
    %select_n3A_173 = arith.select %eq3A_170, %broadcast_in_dim3A_172, %select_n3A_160 : vector<1x16xi1>, vector<1x16xf32>
    %get3A_174 = arith.constant 1280 : index
    %get3A_175 = arith.constant 0 : index
    %get3A_176 = vector.load %arg2[%get3A_174, %get3A_175] : memref<2048x768xf32, #tpu.memory_space<vmem>>, vector<256x768xf32>
    %get3A_177 = arith.constant 0 : index
    %get3A_178 = arith.constant 0 : index
    %get3A_179 = vector.load %arg2[%get3A_177, %get3A_178] : memref<2048x768xf32, #tpu.memory_space<vmem>>, vector<1280x768xf32>
    %dot_general3A_180 = arith.constant dense<0.000000e+00> : vector<1280x256xf32>
    %dot_general3A_181 = tpu.matmul %get3A_179, %get3A_176, %dot_general3A_180 {dimension_numbers = #tpu.dot_dimension_numbers<[1], [1], [0], [0], [0, 0, 1, 0], [], []>, transpose_lhs_hint = false} : vector<1280x768xf32>, vector<256x768xf32>, vector<1280x256xf32> -> vector<1280x256xf32>
    %broadcast_in_dim3A_182 = arith.constant -1.000000e+30 : f32
    %broadcast_in_dim3A_183 = vector.broadcast %broadcast_in_dim3A_182 : f32 to vector<1x16xf32>
    %slice3A_184 = vector.extract_strided_slice %dot_general3A_181 {offsets = [0, 0], sizes = [256, 256], strides = [1, 1]} : vector<1280x256xf32> to vector<256x256xf32>
    %reduce_max3A_185 = arith.constant dense<0xFF800000> : vector<256xf32>
    %reduce_max3A_186 = vector.multi_reduction <maximumf>, %slice3A_184, %reduce_max3A_185 [0] : vector<256x256xf32> to vector<256xf32>
    %broadcast_in_dim3A_187 = vector.shape_cast %reduce_max3A_186 : vector<256xf32> to vector<1x256xf32>
    %reduce_sum3A_188 = arith.constant dense<0.000000e+00> : vector<1xf32>
    %reduce_sum3A_189 = vector.multi_reduction <add>, %broadcast_in_dim3A_187, %reduce_sum3A_188 [1] : vector<1x256xf32> to vector<1xf32>
    %broadcast_in_dim3A_190 = vector.shape_cast %reduce_sum3A_189 : vector<1xf32> to vector<1x1xf32>
    %eq3A_191 = arith.constant 0 : i32
    %eq3A_192 = vector.broadcast %eq3A_191 : i32 to vector<1x16xi32>
    %eq3A_193 = arith.cmpi eq, %iota3A, %eq3A_192 : vector<1x16xi32>
    %broadcast_in_dim3A_194 = vector.shape_cast %broadcast_in_dim3A_190 : vector<1x1xf32> to vector<1x1xf32>
    %broadcast_in_dim3A_195 = vector.broadcast %broadcast_in_dim3A_194 : vector<1x1xf32> to vector<1x16xf32>
    %select_n3A_196 = arith.select %eq3A_193, %broadcast_in_dim3A_195, %broadcast_in_dim3A_183 : vector<1x16xi1>, vector<1x16xf32>
    %slice3A_197 = vector.extract_strided_slice %dot_general3A_181 {offsets = [256, 0], sizes = [256, 256], strides = [1, 1]} : vector<1280x256xf32> to vector<256x256xf32>
    %reduce_max3A_198 = arith.constant dense<0xFF800000> : vector<256xf32>
    %reduce_max3A_199 = vector.multi_reduction <maximumf>, %slice3A_197, %reduce_max3A_198 [0] : vector<256x256xf32> to vector<256xf32>
    %broadcast_in_dim3A_200 = vector.shape_cast %reduce_max3A_199 : vector<256xf32> to vector<1x256xf32>
    %reduce_sum3A_201 = arith.constant dense<0.000000e+00> : vector<1xf32>
    %reduce_sum3A_202 = vector.multi_reduction <add>, %broadcast_in_dim3A_200, %reduce_sum3A_201 [1] : vector<1x256xf32> to vector<1xf32>
    %broadcast_in_dim3A_203 = vector.shape_cast %reduce_sum3A_202 : vector<1xf32> to vector<1x1xf32>
    %eq3A_204 = arith.constant 1 : i32
    %eq3A_205 = vector.broadcast %eq3A_204 : i32 to vector<1x16xi32>
    %eq3A_206 = arith.cmpi eq, %iota3A, %eq3A_205 : vector<1x16xi32>
    %broadcast_in_dim3A_207 = vector.shape_cast %broadcast_in_dim3A_203 : vector<1x1xf32> to vector<1x1xf32>
    %broadcast_in_dim3A_208 = vector.broadcast %broadcast_in_dim3A_207 : vector<1x1xf32> to vector<1x16xf32>
    %select_n3A_209 = arith.select %eq3A_206, %broadcast_in_dim3A_208, %select_n3A_196 : vector<1x16xi1>, vector<1x16xf32>
    %slice3A_210 = vector.extract_strided_slice %dot_general3A_181 {offsets = [512, 0], sizes = [256, 256], strides = [1, 1]} : vector<1280x256xf32> to vector<256x256xf32>
    %reduce_max3A_211 = arith.constant dense<0xFF800000> : vector<256xf32>
    %reduce_max3A_212 = vector.multi_reduction <maximumf>, %slice3A_210, %reduce_max3A_211 [0] : vector<256x256xf32> to vector<256xf32>
    %broadcast_in_dim3A_213 = vector.shape_cast %reduce_max3A_212 : vector<256xf32> to vector<1x256xf32>
    %reduce_sum3A_214 = arith.constant dense<0.000000e+00> : vector<1xf32>
    %reduce_sum3A_215 = vector.multi_reduction <add>, %broadcast_in_dim3A_213, %reduce_sum3A_214 [1] : vector<1x256xf32> to vector<1xf32>
    %broadcast_in_dim3A_216 = vector.shape_cast %reduce_sum3A_215 : vector<1xf32> to vector<1x1xf32>
    %eq3A_217 = arith.constant 2 : i32
    %eq3A_218 = vector.broadcast %eq3A_217 : i32 to vector<1x16xi32>
    %eq3A_219 = arith.cmpi eq, %iota3A, %eq3A_218 : vector<1x16xi32>
    %broadcast_in_dim3A_220 = vector.shape_cast %broadcast_in_dim3A_216 : vector<1x1xf32> to vector<1x1xf32>
    %broadcast_in_dim3A_221 = vector.broadcast %broadcast_in_dim3A_220 : vector<1x1xf32> to vector<1x16xf32>
    %select_n3A_222 = arith.select %eq3A_219, %broadcast_in_dim3A_221, %select_n3A_209 : vector<1x16xi1>, vector<1x16xf32>
    %slice3A_223 = vector.extract_strided_slice %dot_general3A_181 {offsets = [768, 0], sizes = [256, 256], strides = [1, 1]} : vector<1280x256xf32> to vector<256x256xf32>
    %reduce_max3A_224 = arith.constant dense<0xFF800000> : vector<256xf32>
    %reduce_max3A_225 = vector.multi_reduction <maximumf>, %slice3A_223, %reduce_max3A_224 [0] : vector<256x256xf32> to vector<256xf32>
    %broadcast_in_dim3A_226 = vector.shape_cast %reduce_max3A_225 : vector<256xf32> to vector<1x256xf32>
    %reduce_sum3A_227 = arith.constant dense<0.000000e+00> : vector<1xf32>
    %reduce_sum3A_228 = vector.multi_reduction <add>, %broadcast_in_dim3A_226, %reduce_sum3A_227 [1] : vector<1x256xf32> to vector<1xf32>
    %broadcast_in_dim3A_229 = vector.shape_cast %reduce_sum3A_228 : vector<1xf32> to vector<1x1xf32>
    %eq3A_230 = arith.constant 3 : i32
    %eq3A_231 = vector.broadcast %eq3A_230 : i32 to vector<1x16xi32>
    %eq3A_232 = arith.cmpi eq, %iota3A, %eq3A_231 : vector<1x16xi32>
    %broadcast_in_dim3A_233 = vector.shape_cast %broadcast_in_dim3A_229 : vector<1x1xf32> to vector<1x1xf32>
    %broadcast_in_dim3A_234 = vector.broadcast %broadcast_in_dim3A_233 : vector<1x1xf32> to vector<1x16xf32>
    %select_n3A_235 = arith.select %eq3A_232, %broadcast_in_dim3A_234, %select_n3A_222 : vector<1x16xi1>, vector<1x16xf32>
    %slice3A_236 = vector.extract_strided_slice %dot_general3A_181 {offsets = [1024, 0], sizes = [256, 256], strides = [1, 1]} : vector<1280x256xf32> to vector<256x256xf32>
    %reduce_max3A_237 = arith.constant dense<0xFF800000> : vector<256xf32>
    %reduce_max3A_238 = vector.multi_reduction <maximumf>, %slice3A_236, %reduce_max3A_237 [0] : vector<256x256xf32> to vector<256xf32>
    %broadcast_in_dim3A_239 = vector.shape_cast %reduce_max3A_238 : vector<256xf32> to vector<1x256xf32>
    %reduce_sum3A_240 = arith.constant dense<0.000000e+00> : vector<1xf32>
    %reduce_sum3A_241 = vector.multi_reduction <add>, %broadcast_in_dim3A_239, %reduce_sum3A_240 [1] : vector<1x256xf32> to vector<1xf32>
    %broadcast_in_dim3A_242 = vector.shape_cast %reduce_sum3A_241 : vector<1xf32> to vector<1x1xf32>
    %eq3A_243 = arith.constant 4 : i32
    %eq3A_244 = vector.broadcast %eq3A_243 : i32 to vector<1x16xi32>
    %eq3A_245 = arith.cmpi eq, %iota3A, %eq3A_244 : vector<1x16xi32>
    %broadcast_in_dim3A_246 = vector.shape_cast %broadcast_in_dim3A_242 : vector<1x1xf32> to vector<1x1xf32>
    %broadcast_in_dim3A_247 = vector.broadcast %broadcast_in_dim3A_246 : vector<1x1xf32> to vector<1x16xf32>
    %select_n3A_248 = arith.select %eq3A_245, %broadcast_in_dim3A_247, %select_n3A_235 : vector<1x16xi1>, vector<1x16xf32>
    %get3A_249 = arith.constant 1536 : index
    %get3A_250 = arith.constant 0 : index
    %get3A_251 = vector.load %arg2[%get3A_249, %get3A_250] : memref<2048x768xf32, #tpu.memory_space<vmem>>, vector<256x768xf32>
    %get3A_252 = arith.constant 0 : index
    %get3A_253 = arith.constant 0 : index
    %get3A_254 = vector.load %arg2[%get3A_252, %get3A_253] : memref<2048x768xf32, #tpu.memory_space<vmem>>, vector<1536x768xf32>
    %dot_general3A_255 = arith.constant dense<0.000000e+00> : vector<1536x256xf32>
    %dot_general3A_256 = tpu.matmul %get3A_254, %get3A_251, %dot_general3A_255 {dimension_numbers = #tpu.dot_dimension_numbers<[1], [1], [0], [0], [0, 0, 1, 0], [], []>, transpose_lhs_hint = false} : vector<1536x768xf32>, vector<256x768xf32>, vector<1536x256xf32> -> vector<1536x256xf32>
    %broadcast_in_dim3A_257 = arith.constant -1.000000e+30 : f32
    %broadcast_in_dim3A_258 = vector.broadcast %broadcast_in_dim3A_257 : f32 to vector<1x16xf32>
    %slice3A_259 = vector.extract_strided_slice %dot_general3A_256 {offsets = [0, 0], sizes = [256, 256], strides = [1, 1]} : vector<1536x256xf32> to vector<256x256xf32>
    %reduce_max3A_260 = arith.constant dense<0xFF800000> : vector<256xf32>
    %reduce_max3A_261 = vector.multi_reduction <maximumf>, %slice3A_259, %reduce_max3A_260 [0] : vector<256x256xf32> to vector<256xf32>
    %broadcast_in_dim3A_262 = vector.shape_cast %reduce_max3A_261 : vector<256xf32> to vector<1x256xf32>
    %reduce_sum3A_263 = arith.constant dense<0.000000e+00> : vector<1xf32>
    %reduce_sum3A_264 = vector.multi_reduction <add>, %broadcast_in_dim3A_262, %reduce_sum3A_263 [1] : vector<1x256xf32> to vector<1xf32>
    %broadcast_in_dim3A_265 = vector.shape_cast %reduce_sum3A_264 : vector<1xf32> to vector<1x1xf32>
    %eq3A_266 = arith.constant 0 : i32
    %eq3A_267 = vector.broadcast %eq3A_266 : i32 to vector<1x16xi32>
    %eq3A_268 = arith.cmpi eq, %iota3A, %eq3A_267 : vector<1x16xi32>
    %broadcast_in_dim3A_269 = vector.shape_cast %broadcast_in_dim3A_265 : vector<1x1xf32> to vector<1x1xf32>
    %broadcast_in_dim3A_270 = vector.broadcast %broadcast_in_dim3A_269 : vector<1x1xf32> to vector<1x16xf32>
    %select_n3A_271 = arith.select %eq3A_268, %broadcast_in_dim3A_270, %broadcast_in_dim3A_258 : vector<1x16xi1>, vector<1x16xf32>
    %slice3A_272 = vector.extract_strided_slice %dot_general3A_256 {offsets = [256, 0], sizes = [256, 256], strides = [1, 1]} : vector<1536x256xf32> to vector<256x256xf32>
    %reduce_max3A_273 = arith.constant dense<0xFF800000> : vector<256xf32>
    %reduce_max3A_274 = vector.multi_reduction <maximumf>, %slice3A_272, %reduce_max3A_273 [0] : vector<256x256xf32> to vector<256xf32>
    %broadcast_in_dim3A_275 = vector.shape_cast %reduce_max3A_274 : vector<256xf32> to vector<1x256xf32>
    %reduce_sum3A_276 = arith.constant dense<0.000000e+00> : vector<1xf32>
    %reduce_sum3A_277 = vector.multi_reduction <add>, %broadcast_in_dim3A_275, %reduce_sum3A_276 [1] : vector<1x256xf32> to vector<1xf32>
    %broadcast_in_dim3A_278 = vector.shape_cast %reduce_sum3A_277 : vector<1xf32> to vector<1x1xf32>
    %eq3A_279 = arith.constant 1 : i32
    %eq3A_280 = vector.broadcast %eq3A_279 : i32 to vector<1x16xi32>
    %eq3A_281 = arith.cmpi eq, %iota3A, %eq3A_280 : vector<1x16xi32>
    %broadcast_in_dim3A_282 = vector.shape_cast %broadcast_in_dim3A_278 : vector<1x1xf32> to vector<1x1xf32>
    %broadcast_in_dim3A_283 = vector.broadcast %broadcast_in_dim3A_282 : vector<1x1xf32> to vector<1x16xf32>
    %select_n3A_284 = arith.select %eq3A_281, %broadcast_in_dim3A_283, %select_n3A_271 : vector<1x16xi1>, vector<1x16xf32>
    %slice3A_285 = vector.extract_strided_slice %dot_general3A_256 {offsets = [512, 0], sizes = [256, 256], strides = [1, 1]} : vector<1536x256xf32> to vector<256x256xf32>
    %reduce_max3A_286 = arith.constant dense<0xFF800000> : vector<256xf32>
    %reduce_max3A_287 = vector.multi_reduction <maximumf>, %slice3A_285, %reduce_max3A_286 [0] : vector<256x256xf32> to vector<256xf32>
    %broadcast_in_dim3A_288 = vector.shape_cast %reduce_max3A_287 : vector<256xf32> to vector<1x256xf32>
    %reduce_sum3A_289 = arith.constant dense<0.000000e+00> : vector<1xf32>
    %reduce_sum3A_290 = vector.multi_reduction <add>, %broadcast_in_dim3A_288, %reduce_sum3A_289 [1] : vector<1x256xf32> to vector<1xf32>
    %broadcast_in_dim3A_291 = vector.shape_cast %reduce_sum3A_290 : vector<1xf32> to vector<1x1xf32>
    %eq3A_292 = arith.constant 2 : i32
    %eq3A_293 = vector.broadcast %eq3A_292 : i32 to vector<1x16xi32>
    %eq3A_294 = arith.cmpi eq, %iota3A, %eq3A_293 : vector<1x16xi32>
    %broadcast_in_dim3A_295 = vector.shape_cast %broadcast_in_dim3A_291 : vector<1x1xf32> to vector<1x1xf32>
    %broadcast_in_dim3A_296 = vector.broadcast %broadcast_in_dim3A_295 : vector<1x1xf32> to vector<1x16xf32>
    %select_n3A_297 = arith.select %eq3A_294, %broadcast_in_dim3A_296, %select_n3A_284 : vector<1x16xi1>, vector<1x16xf32>
    %slice3A_298 = vector.extract_strided_slice %dot_general3A_256 {offsets = [768, 0], sizes = [256, 256], strides = [1, 1]} : vector<1536x256xf32> to vector<256x256xf32>
    %reduce_max3A_299 = arith.constant dense<0xFF800000> : vector<256xf32>
    %reduce_max3A_300 = vector.multi_reduction <maximumf>, %slice3A_298, %reduce_max3A_299 [0] : vector<256x256xf32> to vector<256xf32>
    %broadcast_in_dim3A_301 = vector.shape_cast %reduce_max3A_300 : vector<256xf32> to vector<1x256xf32>
    %reduce_sum3A_302 = arith.constant dense<0.000000e+00> : vector<1xf32>
    %reduce_sum3A_303 = vector.multi_reduction <add>, %broadcast_in_dim3A_301, %reduce_sum3A_302 [1] : vector<1x256xf32> to vector<1xf32>
    %broadcast_in_dim3A_304 = vector.shape_cast %reduce_sum3A_303 : vector<1xf32> to vector<1x1xf32>
    %eq3A_305 = arith.constant 3 : i32
    %eq3A_306 = vector.broadcast %eq3A_305 : i32 to vector<1x16xi32>
    %eq3A_307 = arith.cmpi eq, %iota3A, %eq3A_306 : vector<1x16xi32>
    %broadcast_in_dim3A_308 = vector.shape_cast %broadcast_in_dim3A_304 : vector<1x1xf32> to vector<1x1xf32>
    %broadcast_in_dim3A_309 = vector.broadcast %broadcast_in_dim3A_308 : vector<1x1xf32> to vector<1x16xf32>
    %select_n3A_310 = arith.select %eq3A_307, %broadcast_in_dim3A_309, %select_n3A_297 : vector<1x16xi1>, vector<1x16xf32>
    %slice3A_311 = vector.extract_strided_slice %dot_general3A_256 {offsets = [1024, 0], sizes = [256, 256], strides = [1, 1]} : vector<1536x256xf32> to vector<256x256xf32>
    %reduce_max3A_312 = arith.constant dense<0xFF800000> : vector<256xf32>
    %reduce_max3A_313 = vector.multi_reduction <maximumf>, %slice3A_311, %reduce_max3A_312 [0] : vector<256x256xf32> to vector<256xf32>
    %broadcast_in_dim3A_314 = vector.shape_cast %reduce_max3A_313 : vector<256xf32> to vector<1x256xf32>
    %reduce_sum3A_315 = arith.constant dense<0.000000e+00> : vector<1xf32>
    %reduce_sum3A_316 = vector.multi_reduction <add>, %broadcast_in_dim3A_314, %reduce_sum3A_315 [1] : vector<1x256xf32> to vector<1xf32>
    %broadcast_in_dim3A_317 = vector.shape_cast %reduce_sum3A_316 : vector<1xf32> to vector<1x1xf32>
    %eq3A_318 = arith.constant 4 : i32
    %eq3A_319 = vector.broadcast %eq3A_318 : i32 to vector<1x16xi32>
    %eq3A_320 = arith.cmpi eq, %iota3A, %eq3A_319 : vector<1x16xi32>
    %broadcast_in_dim3A_321 = vector.shape_cast %broadcast_in_dim3A_317 : vector<1x1xf32> to vector<1x1xf32>
    %broadcast_in_dim3A_322 = vector.broadcast %broadcast_in_dim3A_321 : vector<1x1xf32> to vector<1x16xf32>
    %select_n3A_323 = arith.select %eq3A_320, %broadcast_in_dim3A_322, %select_n3A_310 : vector<1x16xi1>, vector<1x16xf32>
    %slice3A_324 = vector.extract_strided_slice %dot_general3A_256 {offsets = [1280, 0], sizes = [256, 256], strides = [1, 1]} : vector<1536x256xf32> to vector<256x256xf32>
    %reduce_max3A_325 = arith.constant dense<0xFF800000> : vector<256xf32>
    %reduce_max3A_326 = vector.multi_reduction <maximumf>, %slice3A_324, %reduce_max3A_325 [0] : vector<256x256xf32> to vector<256xf32>
    %broadcast_in_dim3A_327 = vector.shape_cast %reduce_max3A_326 : vector<256xf32> to vector<1x256xf32>
    %reduce_sum3A_328 = arith.constant dense<0.000000e+00> : vector<1xf32>
    %reduce_sum3A_329 = vector.multi_reduction <add>, %broadcast_in_dim3A_327, %reduce_sum3A_328 [1] : vector<1x256xf32> to vector<1xf32>
    %broadcast_in_dim3A_330 = vector.shape_cast %reduce_sum3A_329 : vector<1xf32> to vector<1x1xf32>
    %eq3A_331 = arith.constant 5 : i32
    %eq3A_332 = vector.broadcast %eq3A_331 : i32 to vector<1x16xi32>
    %eq3A_333 = arith.cmpi eq, %iota3A, %eq3A_332 : vector<1x16xi32>
    %broadcast_in_dim3A_334 = vector.shape_cast %broadcast_in_dim3A_330 : vector<1x1xf32> to vector<1x1xf32>
    %broadcast_in_dim3A_335 = vector.broadcast %broadcast_in_dim3A_334 : vector<1x1xf32> to vector<1x16xf32>
    %select_n3A_336 = arith.select %eq3A_333, %broadcast_in_dim3A_335, %select_n3A_323 : vector<1x16xi1>, vector<1x16xf32>
    %get3A_337 = arith.constant 1792 : index
    %get3A_338 = arith.constant 0 : index
    %get3A_339 = vector.load %arg2[%get3A_337, %get3A_338] : memref<2048x768xf32, #tpu.memory_space<vmem>>, vector<256x768xf32>
    %get3A_340 = arith.constant 0 : index
    %get3A_341 = arith.constant 0 : index
    %get3A_342 = vector.load %arg2[%get3A_340, %get3A_341] : memref<2048x768xf32, #tpu.memory_space<vmem>>, vector<1792x768xf32>
    %dot_general3A_343 = arith.constant dense<0.000000e+00> : vector<1792x256xf32>
    %dot_general3A_344 = tpu.matmul %get3A_342, %get3A_339, %dot_general3A_343 {dimension_numbers = #tpu.dot_dimension_numbers<[1], [1], [0], [0], [0, 0, 1, 0], [], []>, transpose_lhs_hint = false} : vector<1792x768xf32>, vector<256x768xf32>, vector<1792x256xf32> -> vector<1792x256xf32>
    %broadcast_in_dim3A_345 = arith.constant -1.000000e+30 : f32
    %broadcast_in_dim3A_346 = vector.broadcast %broadcast_in_dim3A_345 : f32 to vector<1x16xf32>
    %slice3A_347 = vector.extract_strided_slice %dot_general3A_344 {offsets = [0, 0], sizes = [256, 256], strides = [1, 1]} : vector<1792x256xf32> to vector<256x256xf32>
    %reduce_max3A_348 = arith.constant dense<0xFF800000> : vector<256xf32>
    %reduce_max3A_349 = vector.multi_reduction <maximumf>, %slice3A_347, %reduce_max3A_348 [0] : vector<256x256xf32> to vector<256xf32>
    %broadcast_in_dim3A_350 = vector.shape_cast %reduce_max3A_349 : vector<256xf32> to vector<1x256xf32>
    %reduce_sum3A_351 = arith.constant dense<0.000000e+00> : vector<1xf32>
    %reduce_sum3A_352 = vector.multi_reduction <add>, %broadcast_in_dim3A_350, %reduce_sum3A_351 [1] : vector<1x256xf32> to vector<1xf32>
    %broadcast_in_dim3A_353 = vector.shape_cast %reduce_sum3A_352 : vector<1xf32> to vector<1x1xf32>
    %eq3A_354 = arith.constant 0 : i32
    %eq3A_355 = vector.broadcast %eq3A_354 : i32 to vector<1x16xi32>
    %eq3A_356 = arith.cmpi eq, %iota3A, %eq3A_355 : vector<1x16xi32>
    %broadcast_in_dim3A_357 = vector.shape_cast %broadcast_in_dim3A_353 : vector<1x1xf32> to vector<1x1xf32>
    %broadcast_in_dim3A_358 = vector.broadcast %broadcast_in_dim3A_357 : vector<1x1xf32> to vector<1x16xf32>
    %select_n3A_359 = arith.select %eq3A_356, %broadcast_in_dim3A_358, %broadcast_in_dim3A_346 : vector<1x16xi1>, vector<1x16xf32>
    %slice3A_360 = vector.extract_strided_slice %dot_general3A_344 {offsets = [256, 0], sizes = [256, 256], strides = [1, 1]} : vector<1792x256xf32> to vector<256x256xf32>
    %reduce_max3A_361 = arith.constant dense<0xFF800000> : vector<256xf32>
    %reduce_max3A_362 = vector.multi_reduction <maximumf>, %slice3A_360, %reduce_max3A_361 [0] : vector<256x256xf32> to vector<256xf32>
    %broadcast_in_dim3A_363 = vector.shape_cast %reduce_max3A_362 : vector<256xf32> to vector<1x256xf32>
    %reduce_sum3A_364 = arith.constant dense<0.000000e+00> : vector<1xf32>
    %reduce_sum3A_365 = vector.multi_reduction <add>, %broadcast_in_dim3A_363, %reduce_sum3A_364 [1] : vector<1x256xf32> to vector<1xf32>
    %broadcast_in_dim3A_366 = vector.shape_cast %reduce_sum3A_365 : vector<1xf32> to vector<1x1xf32>
    %eq3A_367 = arith.constant 1 : i32
    %eq3A_368 = vector.broadcast %eq3A_367 : i32 to vector<1x16xi32>
    %eq3A_369 = arith.cmpi eq, %iota3A, %eq3A_368 : vector<1x16xi32>
    %broadcast_in_dim3A_370 = vector.shape_cast %broadcast_in_dim3A_366 : vector<1x1xf32> to vector<1x1xf32>
    %broadcast_in_dim3A_371 = vector.broadcast %broadcast_in_dim3A_370 : vector<1x1xf32> to vector<1x16xf32>
    %select_n3A_372 = arith.select %eq3A_369, %broadcast_in_dim3A_371, %select_n3A_359 : vector<1x16xi1>, vector<1x16xf32>
    %slice3A_373 = vector.extract_strided_slice %dot_general3A_344 {offsets = [512, 0], sizes = [256, 256], strides = [1, 1]} : vector<1792x256xf32> to vector<256x256xf32>
    %reduce_max3A_374 = arith.constant dense<0xFF800000> : vector<256xf32>
    %reduce_max3A_375 = vector.multi_reduction <maximumf>, %slice3A_373, %reduce_max3A_374 [0] : vector<256x256xf32> to vector<256xf32>
    %broadcast_in_dim3A_376 = vector.shape_cast %reduce_max3A_375 : vector<256xf32> to vector<1x256xf32>
    %reduce_sum3A_377 = arith.constant dense<0.000000e+00> : vector<1xf32>
    %reduce_sum3A_378 = vector.multi_reduction <add>, %broadcast_in_dim3A_376, %reduce_sum3A_377 [1] : vector<1x256xf32> to vector<1xf32>
    %broadcast_in_dim3A_379 = vector.shape_cast %reduce_sum3A_378 : vector<1xf32> to vector<1x1xf32>
    %eq3A_380 = arith.constant 2 : i32
    %eq3A_381 = vector.broadcast %eq3A_380 : i32 to vector<1x16xi32>
    %eq3A_382 = arith.cmpi eq, %iota3A, %eq3A_381 : vector<1x16xi32>
    %broadcast_in_dim3A_383 = vector.shape_cast %broadcast_in_dim3A_379 : vector<1x1xf32> to vector<1x1xf32>
    %broadcast_in_dim3A_384 = vector.broadcast %broadcast_in_dim3A_383 : vector<1x1xf32> to vector<1x16xf32>
    %select_n3A_385 = arith.select %eq3A_382, %broadcast_in_dim3A_384, %select_n3A_372 : vector<1x16xi1>, vector<1x16xf32>
    %slice3A_386 = vector.extract_strided_slice %dot_general3A_344 {offsets = [768, 0], sizes = [256, 256], strides = [1, 1]} : vector<1792x256xf32> to vector<256x256xf32>
    %reduce_max3A_387 = arith.constant dense<0xFF800000> : vector<256xf32>
    %reduce_max3A_388 = vector.multi_reduction <maximumf>, %slice3A_386, %reduce_max3A_387 [0] : vector<256x256xf32> to vector<256xf32>
    %broadcast_in_dim3A_389 = vector.shape_cast %reduce_max3A_388 : vector<256xf32> to vector<1x256xf32>
    %reduce_sum3A_390 = arith.constant dense<0.000000e+00> : vector<1xf32>
    %reduce_sum3A_391 = vector.multi_reduction <add>, %broadcast_in_dim3A_389, %reduce_sum3A_390 [1] : vector<1x256xf32> to vector<1xf32>
    %broadcast_in_dim3A_392 = vector.shape_cast %reduce_sum3A_391 : vector<1xf32> to vector<1x1xf32>
    %eq3A_393 = arith.constant 3 : i32
    %eq3A_394 = vector.broadcast %eq3A_393 : i32 to vector<1x16xi32>
    %eq3A_395 = arith.cmpi eq, %iota3A, %eq3A_394 : vector<1x16xi32>
    %broadcast_in_dim3A_396 = vector.shape_cast %broadcast_in_dim3A_392 : vector<1x1xf32> to vector<1x1xf32>
    %broadcast_in_dim3A_397 = vector.broadcast %broadcast_in_dim3A_396 : vector<1x1xf32> to vector<1x16xf32>
    %select_n3A_398 = arith.select %eq3A_395, %broadcast_in_dim3A_397, %select_n3A_385 : vector<1x16xi1>, vector<1x16xf32>
    %slice3A_399 = vector.extract_strided_slice %dot_general3A_344 {offsets = [1024, 0], sizes = [256, 256], strides = [1, 1]} : vector<1792x256xf32> to vector<256x256xf32>
    %reduce_max3A_400 = arith.constant dense<0xFF800000> : vector<256xf32>
    %reduce_max3A_401 = vector.multi_reduction <maximumf>, %slice3A_399, %reduce_max3A_400 [0] : vector<256x256xf32> to vector<256xf32>
    %broadcast_in_dim3A_402 = vector.shape_cast %reduce_max3A_401 : vector<256xf32> to vector<1x256xf32>
    %reduce_sum3A_403 = arith.constant dense<0.000000e+00> : vector<1xf32>
    %reduce_sum3A_404 = vector.multi_reduction <add>, %broadcast_in_dim3A_402, %reduce_sum3A_403 [1] : vector<1x256xf32> to vector<1xf32>
    %broadcast_in_dim3A_405 = vector.shape_cast %reduce_sum3A_404 : vector<1xf32> to vector<1x1xf32>
    %eq3A_406 = arith.constant 4 : i32
    %eq3A_407 = vector.broadcast %eq3A_406 : i32 to vector<1x16xi32>
    %eq3A_408 = arith.cmpi eq, %iota3A, %eq3A_407 : vector<1x16xi32>
    %broadcast_in_dim3A_409 = vector.shape_cast %broadcast_in_dim3A_405 : vector<1x1xf32> to vector<1x1xf32>
    %broadcast_in_dim3A_410 = vector.broadcast %broadcast_in_dim3A_409 : vector<1x1xf32> to vector<1x16xf32>
    %select_n3A_411 = arith.select %eq3A_408, %broadcast_in_dim3A_410, %select_n3A_398 : vector<1x16xi1>, vector<1x16xf32>
    %slice3A_412 = vector.extract_strided_slice %dot_general3A_344 {offsets = [1280, 0], sizes = [256, 256], strides = [1, 1]} : vector<1792x256xf32> to vector<256x256xf32>
    %reduce_max3A_413 = arith.constant dense<0xFF800000> : vector<256xf32>
    %reduce_max3A_414 = vector.multi_reduction <maximumf>, %slice3A_412, %reduce_max3A_413 [0] : vector<256x256xf32> to vector<256xf32>
    %broadcast_in_dim3A_415 = vector.shape_cast %reduce_max3A_414 : vector<256xf32> to vector<1x256xf32>
    %reduce_sum3A_416 = arith.constant dense<0.000000e+00> : vector<1xf32>
    %reduce_sum3A_417 = vector.multi_reduction <add>, %broadcast_in_dim3A_415, %reduce_sum3A_416 [1] : vector<1x256xf32> to vector<1xf32>
    %broadcast_in_dim3A_418 = vector.shape_cast %reduce_sum3A_417 : vector<1xf32> to vector<1x1xf32>
    %eq3A_419 = arith.constant 5 : i32
    %eq3A_420 = vector.broadcast %eq3A_419 : i32 to vector<1x16xi32>
    %eq3A_421 = arith.cmpi eq, %iota3A, %eq3A_420 : vector<1x16xi32>
    %broadcast_in_dim3A_422 = vector.shape_cast %broadcast_in_dim3A_418 : vector<1x1xf32> to vector<1x1xf32>
    %broadcast_in_dim3A_423 = vector.broadcast %broadcast_in_dim3A_422 : vector<1x1xf32> to vector<1x16xf32>
    %select_n3A_424 = arith.select %eq3A_421, %broadcast_in_dim3A_423, %select_n3A_411 : vector<1x16xi1>, vector<1x16xf32>
    %slice3A_425 = vector.extract_strided_slice %dot_general3A_344 {offsets = [1536, 0], sizes = [256, 256], strides = [1, 1]} : vector<1792x256xf32> to vector<256x256xf32>
    %reduce_max3A_426 = arith.constant dense<0xFF800000> : vector<256xf32>
    %reduce_max3A_427 = vector.multi_reduction <maximumf>, %slice3A_425, %reduce_max3A_426 [0] : vector<256x256xf32> to vector<256xf32>
    %broadcast_in_dim3A_428 = vector.shape_cast %reduce_max3A_427 : vector<256xf32> to vector<1x256xf32>
    %reduce_sum3A_429 = arith.constant dense<0.000000e+00> : vector<1xf32>
    %reduce_sum3A_430 = vector.multi_reduction <add>, %broadcast_in_dim3A_428, %reduce_sum3A_429 [1] : vector<1x256xf32> to vector<1xf32>
    %broadcast_in_dim3A_431 = vector.shape_cast %reduce_sum3A_430 : vector<1xf32> to vector<1x1xf32>
    %eq3A_432 = arith.constant 6 : i32
    %eq3A_433 = vector.broadcast %eq3A_432 : i32 to vector<1x16xi32>
    %eq3A_434 = arith.cmpi eq, %iota3A, %eq3A_433 : vector<1x16xi32>
    %broadcast_in_dim3A_435 = vector.shape_cast %broadcast_in_dim3A_431 : vector<1x1xf32> to vector<1x1xf32>
    %broadcast_in_dim3A_436 = vector.broadcast %broadcast_in_dim3A_435 : vector<1x1xf32> to vector<1x16xf32>
    %select_n3A_437 = arith.select %eq3A_434, %broadcast_in_dim3A_436, %select_n3A_424 : vector<1x16xi1>, vector<1x16xf32>
    %concatenate3A = tpu.concatenate %broadcast_in_dim3A_9, %select_n3A, %select_n3A_62, %select_n3A_111, %select_n3A_173, %select_n3A_248, %select_n3A_336, %select_n3A_437 in 0 : vector<1x16xf32>, vector<1x16xf32>, vector<1x16xf32>, vector<1x16xf32>, vector<1x16xf32>, vector<1x16xf32>, vector<1x16xf32>, vector<1x16xf32> -> vector<8x16xf32>
    %swap3A_438 = arith.constant 0 : index
    %swap3A_439 = arith.constant 0 : index
    %swap3A_440 = vector.load %arg1[%swap3A_438, %swap3A_439] : memref<8x16xf32, #tpu.memory_space<vmem>>, vector<8x16xf32>
    tpu.vector_store %arg1[%swap3A_438, %swap3A_439], %concatenate3A {strides = array<i32>} : memref<8x16xf32, #tpu.memory_space<vmem>>, vector<8x16xf32>,
    return
  }
}

</mosaic_0001>

<sc_bundles>
// kernel: kernel.5.cloned.1.call-start
scs
__scs_entry_jumppad:
0x0: {  	(pc) =	sbr.rel $0x88, $3  }
0x1: {  	(tag) =	ssettag $0x0;
	lr =	simm.s32 $0x1  }
0x2: {  	[smem:$0x3F9F] =	sst lr;
	_ =	strace $0xD0000000  }
0x3: {  	_ = 	snop  }
0x4: {  	_ = 	snop  }
0x5: {  	_ = 	snop  }
0x6: {  	_ = 	snop  }
0x7: {  	_ = 	snop  }
__scs_overlays_trampoline_lowered:
0x8: {  	[smem:$0x3FAE] =	sst s0  }
0x9: {  	[smem:$0x3FAF] =	sst s1  }
0xa: {  	[smem:$0x3FB0] =	sst s2  }
0xb: {  	[smem:$0x3FB1] =	sst s3  }
0xc: {  	[smem:$0x3FB2] =	sst s4  }
0xd: {  	[smem:$0x3FB3] =	sst s5  }
0xe: {  	[smem:$0x3FB4] =	sst s6  }
0xf: {  	[smem:$0x3FB5] =	sst s7  }
0x10: {  	[smem:$0x3FB6] =	sst s8  }
0x11: {  	[smem:$0x3FB7] =	sst s9;
	s0 =	simm.s32 @!p0 $0x0  }
0x12: {  	s1 =	sld [smem:$0x3F9D];
	s0 =	simm.s32 @p0 $0x1  }
0x13: {  	[smem:$0x3FB8] =	sst s0;
	s0 =	simm.s32 @!p1 $0x0  }
0x14: {  	s2 =	sld [smem:$0x3F9C];
	s0 =	simm.s32 @p1 $0x1  }
0x15: {  	[smem:$0x3FB9] =	sst s0;
	s0 =	simm.s32 @!p2 $0x0  }
0x16: {  	s3 =	sld [smem:$0x3FDB];
	s0 =	simm.s32 @p2 $0x1  }
0x17: {  	s4 =	simm.s32 $0x1BF5;
	[smem:$0x3FBB] =	sst s0  }
0x18: {  	s0 =	sld [smem:$0x3F9E];
	_ =	swait.ge [sflag:s4], $0x0  }
0x19: {  	s7 =	sld [smem:$0x3F9F]  }
0x1a: {  	s8 =	sadd.s32 $0xFFFFE003, lr  }
0x1b: {  	s9 =	sadd.s32 $0xFFFFFEF7, lr;
	s5 =	simm.s32 $0xFFFFFFFF;
	p2 =	slt.u32 s8, $0xFFFFF086  }
0x1c: {  	p1 =	slt.u32 s9, $0xF7A;
	s5 =	simm.s32 @!p2 $0x0  }
0x1d: {  	s5 =	simm.s32 @p1 $0x1;
	p0 =	seq.s32 s7, s2  }
0x1e: {  	s7 =	smul.u32 @!p0 $0xF7A, s2;
	p2 =	seq.s32 @!p0 s5, $0x0  }
0x1f: {  	s9 =	smul.u32 $0xF7A, s1;
	s8 =	simm.s32 @!p0 $0x1BF5;
	p2 =	por !p2, p0  }
0x20: {  	[sflag:s8] =	ssyncset.s32 @!p0 $0xFFFFF086;
	s6 =	sadd.s32 @!p0 s3, s7;
	s7 =	simm.s32 @!p0 $0x108  }
0x21: {  	s3 =	sadd.s32 s3, s9;
	s6 =	sadd.s32 @!p0 $0x88, s6;
	s7 =	simm.s32 @p2 $0x1082  }
0x22: {  	[simem:s7], [sflag:s8] =	dma.local @!p0 [hbm:s6], $0xF7A  }
0x23: {  	s9 =	sor.u32 $0xD0000000, s2;
	s6 =	simm.s32 $0x108;
	_ =	swait.ge @!p0 [sflag:s8], $0x0  }
0x24: {  	s3 =	sadd.s32 $0x88, s3;
	s6 =	simm.s32 @!p1 $0x1082;
	[sflag:s4] =	ssyncset.s32 $0xFFFFF086  }
0x25: {  	[simem:s6], [sflag:s4] =	dma.local [hbm:s3], $0xF7A  }
0x26: {  	[smem:$0x3F9F] =	sst s1;
	(tag) =	ssettag s2;
	_ =	strace s9  }
0x27: {  	s1 =	sld [smem:$0x3FAF]  }
0x28: {  	s2 =	sld [smem:$0x3FB0]  }
0x29: {  	s4 =	sld [smem:$0x3FB2]  }
0x2a: {  	p0 =	seq.s32 s5, $0x0;
	s5 =	sld [smem:$0x3FB3]  }
0x2b: {  	s6 =	sld [smem:$0x3FB4]  }
0x2c: {  	s7 =	sld [smem:$0x3FB5]  }
0x2d: {  	s3 =	simm.s32 $0x108;
	s8 =	sld [smem:$0x3FB6]  }
0x2e: {  	s3 =	simm.s32 @!p0 $0x1082;
	s9 =	sld [smem:$0x3FB7]  }
0x2f: {  	lr =	sadd.s32 s0, s3;
	s0 =	sld [smem:$0x3FAE]  }
0x30: {  	s3 =	sld [smem:$0x3FB1]  }
0x31: {  	[smem:$0x3FBA] =	sst s10  }
0x32: {  	s10 =	sld [smem:$0x3FB8];
	_ =	sdelay $0x3  }
0x33: {  	p0 =	seq.s32 s10, $0x1;
	s10 =	sld [smem:$0x3FBA];
	_ =	sdelay $0x3  }
0x34: {  	[smem:$0x3FBA] =	sst s10  }
0x35: {  	s10 =	sld [smem:$0x3FB9];
	_ =	sdelay $0x3  }
0x36: {  	p1 =	seq.s32 s10, $0x1;
	s10 =	sld [smem:$0x3FBA];
	_ =	sdelay $0x3  }
0x37: {  	[smem:$0x3FBA] =	sst s10  }
0x38: {  	s10 =	sld [smem:$0x3FBB]  }
0x39: {  	_ = 	snop;
	(pc) =	sbr.ind lr, $3  }
0x3a: {  	_ = 	snop  }
0x3b: {  	_ = 	snop  }
0x3c: {  	p2 =	seq.s32 s10, $0x1;
	s10 =	sld [smem:$0x3FBA]  }
0x3d: {  	_ =	shalt  }
0x3e: {  	_ =	shalt  }
0x3f: {  	_ =	shalt  }
0x40: {  	_ =	shalt  }
0x41: {  	_ =	shalt  }
0x42: {  	_ =	shalt  }
0x43: {  	_ =	shalt  }
0x44: {  	_ =	shalt  }
0x45: {  	_ =	shalt  }
0x46: {  	_ =	shalt  }
0x47: {  	_ =	shalt  }
0x48: {  	_ =	shalt  }
0x49: {  	_ =	shalt  }
0x4a: {  	_ =	shalt  }
0x4b: {  	_ =	shalt  }
0x4c: {  	_ =	shalt  }
0x4d: {  	_ =	shalt  }
0x4e: {  	_ =	shalt  }
0x4f: {  	_ =	shalt  }
0x50: {  	_ =	shalt  }
0x51: {  	_ =	shalt  }
0x52: {  	_ =	shalt  }
0x53: {  	_ =	shalt  }
0x54: {  	_ =	shalt  }
0x55: {  	_ =	shalt  }
0x56: {  	_ =	shalt  }
0x57: {  	_ =	shalt  }
0x58: {  	_ =	shalt  }
0x59: {  	_ =	shalt  }
0x5a: {  	_ =	shalt  }
0x5b: {  	_ =	shalt  }
0x5c: {  	_ =	shalt  }
0x5d: {  	_ =	shalt  }
0x5e: {  	_ =	shalt  }
0x5f: {  	_ =	shalt  }
0x60: {  	_ =	shalt  }
0x61: {  	_ =	shalt  }
0x62: {  	_ =	shalt  }
0x63: {  	_ =	shalt  }
0x64: {  	_ =	shalt  }
0x65: {  	_ =	shalt  }
0x66: {  	_ =	shalt  }
0x67: {  	_ =	shalt  }
0x68: {  	_ =	shalt  }
0x69: {  	_ =	shalt  }
0x6a: {  	_ =	shalt  }
0x6b: {  	_ =	shalt  }
0x6c: {  	_ =	shalt  }
0x6d: {  	_ =	shalt  }
0x6e: {  	_ =	shalt  }
0x6f: {  	_ =	shalt  }
0x70: {  	_ =	shalt  }
0x71: {  	_ =	shalt  }
0x72: {  	_ =	shalt  }
0x73: {  	_ =	shalt  }
0x74: {  	_ =	shalt  }
0x75: {  	_ =	shalt  }
0x76: {  	_ =	shalt  }
0x77: {  	_ =	shalt  }
0x78: {  	_ =	shalt  }
0x79: {  	_ =	shalt  }
0x7a: {  	_ =	shalt  }
0x7b: {  	_ =	shalt  }
0x7c: {  	_ =	shalt  }
0x7d: {  	_ =	shalt  }
0x7e: {  	_ =	shalt  }
0x7f: {  	_ =	shalt  }
0x80: {  	_ =	shalt  }
0x81: {  	_ =	shalt  }
0x82: {  	_ =	shalt  }
0x83: {  	_ =	shalt  }
0x84: {  	_ =	shalt  }
0x85: {  	_ =	shalt  }
0x86: {  	_ =	shalt  }
0x87: {  	_ =	shalt  }
.Lfunc_end0:
.L_simem_size_0:
called_computation_lowered:
.L_overlay_start_0:
0x88: {  	s0 =	sld [smem:$0x3FD9]  }
0x89: {  	s1 =	sld [smem:$0x3FFE];
	_ =	sdelay $0x3  }
0x8a: {  	s0 =	sadd.s32 s1, s0  }
0x8b: {  	[smem:$0x3FC6] =	sst s0  }
0x8c: {  	_ = 	snop  }
0x8d: {  	s0 =	sld [smem:$0x3FD0];
	(tm) =	ssettm $0x1  }
0x8e: {  	s16 =	sld [smem:$0x3FFB];
	_ =	sdelay $0x3  }
0x8f: {  	_ =	strace s16  }
0x90: {  	s1 =	sld [smem:$0x3FFC];
	_ =	sdelay $0x3  }
0x91: {  	_ =	strace s1  }
0x92: {  	s1 =	sld [smem:$0x3FFD];
	_ =	sdelay $0x3  }
0x93: {  	_ =	strace s1  }
0x94: {  	_ =	strace $0x8FFFFFFF  }
0x95: {  	s17 =	sld [smem:$0x3FDB];
	_ =	sdelay $0x1  }
0x96: {  	s2 =	simm.s32 $_scs_section_size  }
0x97: {  	s3 =	simm.s32 $_size__tile_overlayer_lowered;
	s4 =	simm.s32 $_tile_overlayer_lowered  }
0x98: {  	s20 =	simm.s32 $0x1BFF;
	s19 =	sshll.u32 s4, $0x1;
	s1 =	sadd.s32 s2, s17  }
0x99: {  	s5 =	simm.s32 $0x0;
	s18 =	sshll.u32 s3, $0x1;
	s3 =	sadd.s32 s19, s1  }
0x9a: {  	[timem:s5], [sflag:s20] =	dma.local [hbm:s3], s18  }
0x9b: {  	_ =	swait.ge [sflag:s20], s18  }
0x9c: {  	s2 =	ssub.s32 $0x0, s18;
	[sflag:s20] =	ssyncset.done $0x0  }
0x9d: {  	[sflag:s20] =	ssyncadd.s32 s2;
	_ =	sdelay $0x1  }
0x9e: {  	s21 =	simm.s32 $0x1B8B  }
0x9f: {  	_ =	swait.ge [sflag:s21], $0x1  }
0xa0: {  	[sflag:s21] =	ssyncset.done $0x0  }
0xa1: {  	s23 =	simm.s32 $0x1B8E;
	s22 =	sld [smem:$0x3FFE];
	[sflag:s21] =	ssyncadd.s32 $0xFFFFFFFF  }
0xa2: {  	s24 =	simm.s32 $execute0_lowered;
	[smem:$0x3FD2] =	sst s23  }
0xa3: {  	s3 =	sshll.u32 s24, $0x1;
	_ =	strace $0x80000046;
	[dreg:$0x1] =	wrdreg $0xFFFFFFFF  }
0xa4: {  	s25 =	simm.s32 $_size_execute0_lowered;
	s1 =	sadd.s32 s1, s3;
	[dreg:$0x0] =	wrdreg $0x0  }
0xa5: {  	s3 =	sshll.u32 s25, $0x1;
	[dreg:$0x2] =	wrdreg s1  }
0xa6: {  	[dreg:$0x3] =	wrdreg s3  }
0xa7: {  	[dreg:$0x4] =	wrdreg $0xC0  }
0xa8: {  	_ =	task [dreg:s5], $0x5FFFF  }
0xa9: {  	[dreg:$0x1] =	wrdreg $0xFFFFFFFF  }
0xaa: {  	[dreg:$0x0] =	wrdreg $0x60  }
0xab: {  	[dreg:$0x2] =	wrdreg s0  }
0xac: {  	[dreg:$0x3] =	wrdreg s22  }
0xad: {  	[dreg:$0x4] =	wrdreg $0x9  }
0xae: {  	_ =	task.clear_ibuf [dreg:s5], $0x5FFFF;
	_ =	strace $0x90000046  }
0xaf: {  	s26 =	simm.s32 $0x9;
	_ =	strace $0x80000048  }
0xb0: {  	_ =	swait.ge [sflag:s26], $0x1  }
0xb1: {  	[sflag:s26] =	ssyncadd.s32 $0xFFFFFFFF  }
0xb2: {  	_ =	strace $0x90000048  }
0xb3: {  	_ =	sfence  }
0xb4: {  	s28 =	sld [smem:$0x0];
	_ =	sdelay $0x1  }
0xb5: {  	s29 =	srdreg.scid  }
0xb6: {  	s30 =	sshll.u32 s29, $0xD;
	s31 =	sshrl.u32 s29, $0x2  }
0xb7: {  	s2 =	sand.u32 $0x4000, s30;
	s1 =	sand.u32 $0x1, s29;
	s0 =	sadd.s32 s31, s28  }
0xb8: {  	s1 =	sor.u32 s2, s1;
	s0 =	sshll.u32 s0, $0x11  }
0xb9: {  	s0 =	sor.u32 s0, s1  }
0xba: {  	s0 =	sadd.s32 $0x8F2B, s0  }
0xbb: {  	[sflag:s0] =	ssyncadd.remote.s32 $0x1  }
0xbc: {  	_ =	sfence.sel $0xFFFF  }
0xbd: {  	[dreg:$0x0] =	wrdreg $0xFFFFFFFF;
	(pc) =	sbr.abs _section_cstart, $3  }
0xbe: {  	[dreg:$0x1] =	wrdreg $0xFFFFFFFF  }
0xbf: {  	_ =	task.clear_ibuf [dreg:s5], $0x2FFFF;
	_ =	strace $0x9FFFFFFF  }
0xc0: {  	(tm) =	ssettm $0x7FFFFFFF  }
0xc1: {  	_ =	shalt  }
tec
execute0_lowered:
.L_overlay_start_1:
0x0: {  	(tag) =	ssettag $0x1  }
0x1: {  	s0 =	rddreg [dreg:$0x0]  }
0x2: {  	s1 =	rddreg [dreg:$0x1];
	s2 =	stileid.u32  }
0x3: {  	s3 =	rddreg [dreg:$0x2];
	s4 =	simm.s32 $0x0;
	p0 =	sgt.u32 s2, $0x7  }
0x4: {  	[smem:$0x7FF] =	sst s4;
	s4 =	sshll.u32 @!p0 s2, $0x4  }
0x5: {  	_ =	strace $0x80000047;
	s5 =	simm.s32 @!p0 $0x0;
	s0 =	sadd.s32 @!p0 s0, s4  }
0x6: {  	[tilespmem:s5], [sflag:$0x1] =	stream.linear.gather @!p0 [hbm4b:s0+s5], $0x80, $0x38;
	[tilespmem:$0x100] =	vst v63  }
0x7: {  	s0 =	simm.s32 @!p0 $0x1  }
0x8: {  	_ =	swait.ge @!p0 [sflag:s0], $0x80  }
0x9: {  	[sflag:s0] =	ssyncset.done @!p0 $0x0  }
0xa: {  	[sflag:s0] =	ssyncadd.s32 @!p0 $0xFFFFFF80  }
0xb: {  	v0 =	vld @!p0 [tilespmem:$0x0];
	_ =	sdelay $0x3  }
0xc: {  	v1 =	vlaneseq.u32 @!p0  }
0xd: {  	(xrf1) =	vsort.dscd.msk.f32 @!p0 $0xffff, v0, v1;
	_ =	sdelay $0x7  }
0xe: {  	s6 =	smax.u32 @!p0 s2, $0x1  }
0xf: {  	s6 =	smin.u32 @!p0 s6, $0x3  }
0x10: {  	s6 =	sadd.s32 @!p0 $0xFFFFFFFF, s6  }
0x11: {  	v0 =	vmov @!p0 s6;
	_ =	sdelay $0x2  }
0x12: {  	vm0 =	veq.s32 @!p0 v0, v1;
	v0, v1, _ =	vpop @!p0 (xrf1)  }
0x13: {  	v2 =	vnsel @!p0 vm0, $0x0, v0  }
0x14: {  	(xrf2) =	vadd.scan.msk.f32 @!p0 $0xffff, v2;
	_ =	sdelay $0x9  }
0x15: {  	v2, _, _ =	vpop @!p0 (xrf2)  }
0x16: {  	(v2sf) =	vpush @!p0 v2, $0xF;
	_ =	sdelay $0xe  }
0x17: {  	s6 =	spop @!p0 (v2sf)  }
0x18: {  	s6 =	sadd.f32 @!p0 $9.999999970e-07, s6;
	_ =	sdelay $0x1  }
0x19: {  	v2 =	vmov @!p0 s6  }
0x1a: {  	(erf) = vrcp.f32 @!p0 v2;
	_ =	sdelay $0x8  }
0x1b: {  	v1 =	vcvt.s32.f32 @!p0 v1;
	v2 =	vpop @!p0 (erf)  }
0x1c: {  	v0 =	vmul.f32 @!p0 v2, v0  }
0x1d: {  	s1 =	sadd.s32 $0xC00, s1;
	[tilespmem:$0x90] =	vst @!p0 v1  }
0x1e: {  	s1 =	sadd.s32 @!p0 s1, s4;
	s4 =	simm.s32 @!p0 $0x80;
	[tilespmem:$0x80] =	vst @!p0 v0  }
0x1f: {  	[hbm4b:s1+s5] =	stream.linear.scatter @!p0 [tilespmem:s4], [sflag:$0x1], $0x80, $0x38;
	[tilespmem:$0x100] =	vst v63  }
0x20: {  	_ =	swait.ge @!p0 [sflag:s0], $0x80  }
0x21: {  	[sflag:s0] =	ssyncset.done @!p0 $0x0  }
0x22: {  	[sflag:s0] =	ssyncadd.s32 @!p0 $0xFFFFFF80  }
0x23: {  	_ =	sfence.sel $0x180000  }
0x24: {  	[bflag:$0x0] =	sbarrier.arrive $0xFFFF  }
0x25: {  	p0 =	sne.s32 s2, $0x0;
	_ =	strace $0x90000047  }
0x26: {  	s0 =	sadd.s32 @!p0 $0x100000, s3;
	[bflag:$0x2] =	sbarrier.arrive $0xFFFF  }
0x27: {  	[sflag:s0] =	ssyncadd.tile.s32 @!p0 $0x1;
	_ =	shalt  }
.Lfunc_end2:
_tile_overlayer_lowered:
.L_overlay_start_2:
0x28: {  	(tag) =	ssettag $0x2  }
0x29: {  	s0 =	rddreg [dreg:$0x0];
	s2 =	stileid.u32  }
0x2a: {  	s1 =	rddreg [dreg:$0x1];
	p0 =	sne.s32 s2, $0x0  }
0x2b: {  	s3 =	rddreg [dreg:$0x2];
	[bflag:$0x3] =	sbarrier.arrive $0xFFFF;
	s2 =	simm.s32 @!p0 $0x1C01  }
0x2c: {  	[timem:s3], [sflag:s2] =	dma.local @!p0 [hbm:s0], s1  }
0x2d: {  	s0 =	simm.s32 @!p0 $0x1  }
0x2e: {  	_ =	swait.ge @!p0 [sflag:s0], s1  }
0x2f: {  	s1 =	ssub.s32 @!p0 $0x0, s1;
	[sflag:s0] =	ssyncset.done @!p0 $0x0  }
0x30: {  	[sflag:s0] =	ssyncadd.s32 @!p0 s1  }
0x31: {  	[bflag:$0x3] =	sbarrier.arrive $0xFFFF  }
0x32: {  	_ =	shalt  }

</sc_bundles>
